<compile_context>
chip_gen: v7x
topology: tpu7x:2x2x1
jax: 0.10.2.dev20260603
libtpu: 0.0.44.dev20260713+nightly
codegen_flags: <defaults>
</compile_context>

<pallas_src>
import jax
import jax.numpy as jnp
from jax import lax
from jax.experimental import pallas as pl
from jax.experimental.pallas import tpu as pltpu
from jax.experimental.pallas import tpu_sc as plsc

N_LANES = 16
NUM_CORES = 2
NUM_SUBCORES = 16
NW = NUM_CORES * NUM_SUBCORES
BATCH_SIZE = 16384
DIM = 32
ROWS_PER_W = BATCH_SIZE // NW
CHUNK = 128
NCHUNK = ROWS_PER_W // CHUNK
GROUPS = ROWS_PER_W // N_LANES


def _gmf_body(uidx_hbm, iidx_hbm, ut_hbm, it_hbm, wb_hbm, b_hbm, out_hbm,
              idxu_v, idxi_v, u_rows, i_rows, out_v, wb_v, b_v, sem):
    c = lax.axis_index("c")
    s = lax.axis_index("s")
    wid = s * NUM_CORES + c

    pltpu.sync_copy(uidx_hbm.at[pl.ds(wid * NCHUNK, NCHUNK)], idxu_v)
    pltpu.sync_copy(iidx_hbm.at[pl.ds(wid * NCHUNK, NCHUNK)], idxi_v)
    pltpu.sync_copy(wb_hbm, wb_v)
    pltpu.sync_copy(b_hbm, b_v)

    copies = []
    for j in range(NCHUNK):
        copies.append(pltpu.async_copy(
            ut_hbm.at[idxu_v.at[j]], u_rows.at[pl.ds(j * CHUNK, CHUNK)], sem))
        copies.append(pltpu.async_copy(
            it_hbm.at[idxi_v.at[j]], i_rows.at[pl.ds(j * CHUNK, CHUNK)], sem))
    for cp in copies:
        cp.wait()

    lane_iota = lax.iota(jnp.int32, N_LANES)
    wvecs = [wb_v[d, :] for d in range(DIM)]
    cols = [jnp.full((N_LANES,), d, jnp.int32) for d in range(DIM)]
    bias = b_v[...]

    def group(g, carry):
        base = pl.multiple_of(g * N_LANES, N_LANES)
        rows = base + lane_iota
        acc = bias
        for d in range(DIM):
            uv = plsc.load_gather(u_rows, [rows, cols[d]])
            iv = plsc.load_gather(i_rows, [rows, cols[d]])
            acc = acc + uv * iv * wvecs[d]
        rating = 1.0 / (1.0 + jnp.exp(-acc))
        out_v[pl.ds(base, N_LANES)] = rating
        return carry

    lax.fori_loop(0, GROUPS, group, 0)
    pltpu.sync_copy(out_v, out_hbm.at[pl.ds(wid * ROWS_PER_W, ROWS_PER_W)])


def kernel(user_indices, item_indices, user_table, item_table, W, b):
    uidx = user_indices.astype(jnp.int32).reshape(NW * NCHUNK, CHUNK)
    iidx = item_indices.astype(jnp.int32).reshape(NW * NCHUNK, CHUNK)
    wb = jnp.broadcast_to(W.reshape(DIM, 1), (DIM, N_LANES))
    b16 = jnp.broadcast_to(b.reshape(1), (N_LANES,))

    mesh = plsc.VectorSubcoreMesh(core_axis_name="c", subcore_axis_name="s")
    out = pl.kernel(
        _gmf_body,
        out_type=jax.ShapeDtypeStruct((BATCH_SIZE,), jnp.float32),
        mesh=mesh,
        compiler_params=pltpu.CompilerParams(
            needs_layout_passes=False, use_tc_tiling_on_sc=False),
        scratch_types=[
            pltpu.VMEM((NCHUNK, CHUNK), jnp.int32),
            pltpu.VMEM((NCHUNK, CHUNK), jnp.int32),
            pltpu.VMEM((ROWS_PER_W, DIM), jnp.float32),
            pltpu.VMEM((ROWS_PER_W, DIM), jnp.float32),
            pltpu.VMEM((ROWS_PER_W,), jnp.float32),
            pltpu.VMEM((DIM, N_LANES), jnp.float32),
            pltpu.VMEM((N_LANES,), jnp.float32),
            pltpu.SemaphoreType.DMA,
        ],
    )(uidx, iidx, user_table, item_table, wb, b16)
    return out.reshape(BATCH_SIZE, 1)

# --- scband reference (transcript-rebuilt; emitter-appended) ---
"""Pipeline reference for scband-gmf-9466107920772 (READ-ONLY COPY).

The authoritative reference and input builder live on the scoring server;
editing this copy changes nothing except your own understanding.
"""

import jax, jax.numpy as jnp
import numpy as np

N_USERS = 1000000
N_ITEMS = 1000000
LATENT_DIM = 32
BATCH = 16384

def setup_inputs(seed: int = 0) -> dict:
    key = jax.random.key(seed)
    k1, k2, k3, k4, k5, k6 = jax.random.split(key, 6)
    user_indices = jax.random.randint(k1, (BATCH,), 0, N_USERS, dtype=jnp.int64) if jax.config.jax_enable_x64 else jax.random.randint(k1, (BATCH,), 0, N_USERS, dtype=jnp.int32)
    item_indices = jax.random.randint(k2, (BATCH,), 0, N_ITEMS, dtype=jnp.int32)
    user_table = jax.random.normal(k3, (N_USERS, LATENT_DIM), dtype=jnp.float32)
    item_table = jax.random.normal(k4, (N_ITEMS, LATENT_DIM), dtype=jnp.float32)
    W = jax.random.normal(k5, (LATENT_DIM, 1), dtype=jnp.float32) * (1.0 / np.sqrt(LATENT_DIM))
    b = jax.random.normal(k6, (1,), dtype=jnp.float32) * 0.01
    return {
        'user_indices': user_indices,
        'item_indices': item_indices,
        'user_table': user_table,
        'item_table': item_table,
        'W': W,
        'b': b,
    }

def reference(user_indices, item_indices, user_table, item_table, W, b):
    user_embedding = jnp.take(user_table, user_indices, axis=0)   # [B, D]
    item_embedding = jnp.take(item_table, item_indices, axis=0)   # [B, D]
    element_product = user_embedding * item_embedding             # [B, D]
    logits = element_product @ W + b                               # [B, 1]
    rating = jax.nn.sigmoid(logits)
    return rating

if __name__ == "__main__":
    import jax
    _d = setup_inputs()
    print(jax.jit(kernel)(*tuple(_d.values())))

</pallas_src>

<mosaic_0001>
#map = affine_map<(d0, d1) -> (0, 0)>
#map1 = affine_map<(d0, d1) -> (0)>
module attributes {stable_mosaic.version = 14 : i64} {
  func.func @_gmf_body(%arg0: i32, %arg1: i32, %arg2: memref<128x128xi32, #tpu.memory_space<hbm>>, %arg3: memref<128x128xi32, #tpu.memory_space<hbm>>, %arg4: memref<1000000x32xf32, #tpu.memory_space<hbm>>, %arg5: memref<1000000x32xf32, #tpu.memory_space<hbm>>, %arg6: memref<32x16xf32, #tpu.memory_space<hbm>>, %arg7: memref<16xf32, #tpu.memory_space<hbm>>, %arg8: memref<16384xf32, #tpu.memory_space<hbm>>, %arg9: memref<4x128xi32, #tpu.memory_space<vmem>>, %arg10: memref<4x128xi32, #tpu.memory_space<vmem>>, %arg11: memref<512x32xf32, #tpu.memory_space<vmem>>, %arg12: memref<512x32xf32, #tpu.memory_space<vmem>>, %arg13: memref<512xf32, #tpu.memory_space<vmem>>, %arg14: memref<32x16xf32, #tpu.memory_space<vmem>>, %arg15: memref<16xf32, #tpu.memory_space<vmem>>, %arg16: memref<!tpu.dma_semaphore, #tpu.memory_space<semaphore_mem>>) attributes {dimension_semantics = [#tpu.dimension_semantics<core_parallel>, #tpu.dimension_semantics<subcore_parallel>], iteration_bounds = array<i64: 2, 16>, scalar_prefetch = 0 : i64, scratch_operands = 8 : i64, tpu.core_type = #tpu.core_type<sc_vector_subcore>, window_params = [{transform_indices = #map}, {transform_indices = #map}, {transform_indices = #map}, {transform_indices = #map}, {transform_indices = #map}, {transform_indices = #map1}, {transform_indices = #map1}]} {
    %mul3A = arith.constant 2 : i32
    %mul3A_0 = arith.muli %arg1, %mul3A : i32
    %add3A = arith.addi %mul3A_0, %arg0 : i32
    %mul3A_1 = arith.constant 4 : i32
    %mul3A_2 = arith.muli %add3A, %mul3A_1 : i32
    "tpu.region"() ({
      %run_scoped3A = tpu.sem_alloc : memref<!tpu.dma_semaphore, #tpu.memory_space<semaphore_mem>>
      %dma_start3A_362 = arith.constant 0 : i32
      %dma_start3A_363 = tpu.memref_slice %arg2[%mul3A_2, %dma_start3A_362] : memref<128x128xi32, #tpu.memory_space<hbm>> -> memref<4x128xi32, #tpu.memory_space<hbm>>
      %dma_start3A_364 = arith.constant 0 : i32
      %dma_start3A_365 = tpu.memref_slice %arg2[%mul3A_2, %dma_start3A_364] : memref<128x128xi32, #tpu.memory_space<hbm>> -> memref<4x128xi32, #tpu.memory_space<hbm>>
      tpu.enqueue_dma source(%dma_start3A_365 : memref<4x128xi32, #tpu.memory_space<hbm>>) target(%arg9 : memref<4x128xi32, #tpu.memory_space<vmem>>) target_semaphore(%run_scoped3A : memref<!tpu.dma_semaphore, #tpu.memory_space<semaphore_mem>>)
      %dma_wait3A_366 = arith.constant 0 : i32
      %dma_wait3A_367 = tpu.memref_slice %arg2[%mul3A_2, %dma_wait3A_366] : memref<128x128xi32, #tpu.memory_space<hbm>> -> memref<4x128xi32, #tpu.memory_space<hbm>>
      %dma_wait3A_368 = arith.constant 0 : i32
      %dma_wait3A_369 = tpu.memref_slice %arg2[%mul3A_2, %dma_wait3A_368] : memref<128x128xi32, #tpu.memory_space<hbm>> -> memref<4x128xi32, #tpu.memory_space<hbm>>
      tpu.wait_dma2 semaphore(%run_scoped3A : memref<!tpu.dma_semaphore, #tpu.memory_space<semaphore_mem>>) src(%dma_wait3A_369 : memref<4x128xi32, #tpu.memory_space<hbm>>) dst(%arg9 : memref<4x128xi32, #tpu.memory_space<vmem>>)
      tpu.yield
    }) : () -> ()
    %mul3A_3 = arith.constant 4 : i32
    %mul3A_4 = arith.muli %add3A, %mul3A_3 : i32
    "tpu.region"() ({
      %run_scoped3A = tpu.sem_alloc : memref<!tpu.dma_semaphore, #tpu.memory_space<semaphore_mem>>
      %dma_start3A_362 = arith.constant 0 : i32
      %dma_start3A_363 = tpu.memref_slice %arg3[%mul3A_4, %dma_start3A_362] : memref<128x128xi32, #tpu.memory_space<hbm>> -> memref<4x128xi32, #tpu.memory_space<hbm>>
      %dma_start3A_364 = arith.constant 0 : i32
      %dma_start3A_365 = tpu.memref_slice %arg3[%mul3A_4, %dma_start3A_364] : memref<128x128xi32, #tpu.memory_space<hbm>> -> memref<4x128xi32, #tpu.memory_space<hbm>>
      tpu.enqueue_dma source(%dma_start3A_365 : memref<4x128xi32, #tpu.memory_space<hbm>>) target(%arg10 : memref<4x128xi32, #tpu.memory_space<vmem>>) target_semaphore(%run_scoped3A : memref<!tpu.dma_semaphore, #tpu.memory_space<semaphore_mem>>)
      %dma_wait3A_366 = arith.constant 0 : i32
      %dma_wait3A_367 = tpu.memref_slice %arg3[%mul3A_4, %dma_wait3A_366] : memref<128x128xi32, #tpu.memory_space<hbm>> -> memref<4x128xi32, #tpu.memory_space<hbm>>
      %dma_wait3A_368 = arith.constant 0 : i32
      %dma_wait3A_369 = tpu.memref_slice %arg3[%mul3A_4, %dma_wait3A_368] : memref<128x128xi32, #tpu.memory_space<hbm>> -> memref<4x128xi32, #tpu.memory_space<hbm>>
      tpu.wait_dma2 semaphore(%run_scoped3A : memref<!tpu.dma_semaphore, #tpu.memory_space<semaphore_mem>>) src(%dma_wait3A_369 : memref<4x128xi32, #tpu.memory_space<hbm>>) dst(%arg10 : memref<4x128xi32, #tpu.memory_space<vmem>>)
      tpu.yield
    }) : () -> ()
    "tpu.region"() ({
      %run_scoped3A = tpu.sem_alloc : memref<!tpu.dma_semaphore, #tpu.memory_space<semaphore_mem>>
      tpu.enqueue_dma source(%arg6 : memref<32x16xf32, #tpu.memory_space<hbm>>) target(%arg14 : memref<32x16xf32, #tpu.memory_space<vmem>>) target_semaphore(%run_scoped3A : memref<!tpu.dma_semaphore, #tpu.memory_space<semaphore_mem>>)
      tpu.wait_dma2 semaphore(%run_scoped3A : memref<!tpu.dma_semaphore, #tpu.memory_space<semaphore_mem>>) src(%arg6 : memref<32x16xf32, #tpu.memory_space<hbm>>) dst(%arg14 : memref<32x16xf32, #tpu.memory_space<vmem>>)
      tpu.yield
    }) : () -> ()
    "tpu.region"() ({
      %run_scoped3A = tpu.sem_alloc : memref<!tpu.dma_semaphore, #tpu.memory_space<semaphore_mem>>
      tpu.enqueue_dma source(%arg7 : memref<16xf32, #tpu.memory_space<hbm>>) target(%arg15 : memref<16xf32, #tpu.memory_space<vmem>>) target_semaphore(%run_scoped3A : memref<!tpu.dma_semaphore, #tpu.memory_space<semaphore_mem>>)
      tpu.wait_dma2 semaphore(%run_scoped3A : memref<!tpu.dma_semaphore, #tpu.memory_space<semaphore_mem>>) src(%arg7 : memref<16xf32, #tpu.memory_space<hbm>>) dst(%arg15 : memref<16xf32, #tpu.memory_space<vmem>>)
      tpu.yield
    }) : () -> ()
    %dma_start3A = arith.constant 0 : i32
    %dma_start3A_5 = arith.constant 0 : i32
    %dma_start3A_6 = arith.constant 0 : i32
    %dma_start3A_7 = tpu.memref_slice %arg11[%dma_start3A_5, %dma_start3A_6] : memref<512x32xf32, #tpu.memory_space<vmem>> -> memref<128x32xf32, #tpu.memory_space<vmem>>
    %dma_start3A_8 = arith.constant 0 : i32
    %dma_start3A_9 = tpu.memref_slice %arg9[%dma_start3A, %dma_start3A_8] : memref<4x128xi32, #tpu.memory_space<vmem>> -> memref<1x128xi32, #tpu.memory_space<vmem>>
    %dma_start3A_10 = tpu.memref_squeeze %dma_start3A_9 : memref<1x128xi32, #tpu.memory_space<vmem>> -> memref<128xi32, #tpu.memory_space<vmem>>
    %dma_start3A_11 = arith.constant 0 : i32
    %dma_start3A_12 = arith.constant 0 : i32
    %dma_start3A_13 = tpu.memref_slice %arg4[%dma_start3A_11, %dma_start3A_12] : memref<1000000x32xf32, #tpu.memory_space<hbm>> -> memref<1000000x32xf32, #tpu.memory_space<hbm>>
    tpu.enqueue_indirect_dma source(%dma_start3A_13 : memref<1000000x32xf32, #tpu.memory_space<hbm>>) target(%dma_start3A_7 : memref<128x32xf32, #tpu.memory_space<vmem>>) offsets(%dma_start3A_10 : memref<128xi32, #tpu.memory_space<vmem>>) semaphore(%arg16 : memref<!tpu.dma_semaphore, #tpu.memory_space<semaphore_mem>>)
    %dma_start3A_14 = arith.constant 0 : i32
    %dma_start3A_15 = arith.constant 0 : i32
    %dma_start3A_16 = arith.constant 0 : i32
    %dma_start3A_17 = tpu.memref_slice %arg12[%dma_start3A_15, %dma_start3A_16] : memref<512x32xf32, #tpu.memory_space<vmem>> -> memref<128x32xf32, #tpu.memory_space<vmem>>
    %dma_start3A_18 = arith.constant 0 : i32
    %dma_start3A_19 = tpu.memref_slice %arg10[%dma_start3A_14, %dma_start3A_18] : memref<4x128xi32, #tpu.memory_space<vmem>> -> memref<1x128xi32, #tpu.memory_space<vmem>>
    %dma_start3A_20 = tpu.memref_squeeze %dma_start3A_19 : memref<1x128xi32, #tpu.memory_space<vmem>> -> memref<128xi32, #tpu.memory_space<vmem>>
    %dma_start3A_21 = arith.constant 0 : i32
    %dma_start3A_22 = arith.constant 0 : i32
    %dma_start3A_23 = tpu.memref_slice %arg5[%dma_start3A_21, %dma_start3A_22] : memref<1000000x32xf32, #tpu.memory_space<hbm>> -> memref<1000000x32xf32, #tpu.memory_space<hbm>>
    tpu.enqueue_indirect_dma source(%dma_start3A_23 : memref<1000000x32xf32, #tpu.memory_space<hbm>>) target(%dma_start3A_17 : memref<128x32xf32, #tpu.memory_space<vmem>>) offsets(%dma_start3A_20 : memref<128xi32, #tpu.memory_space<vmem>>) semaphore(%arg16 : memref<!tpu.dma_semaphore, #tpu.memory_space<semaphore_mem>>)
    %dma_start3A_24 = arith.constant 1 : i32
    %dma_start3A_25 = arith.constant 128 : i32
    %dma_start3A_26 = arith.constant 0 : i32
    %dma_start3A_27 = tpu.memref_slice %arg11[%dma_start3A_25, %dma_start3A_26] : memref<512x32xf32, #tpu.memory_space<vmem>> -> memref<128x32xf32, #tpu.memory_space<vmem>>
    %dma_start3A_28 = arith.constant 0 : i32
    %dma_start3A_29 = tpu.memref_slice %arg9[%dma_start3A_24, %dma_start3A_28] : memref<4x128xi32, #tpu.memory_space<vmem>> -> memref<1x128xi32, #tpu.memory_space<vmem>>
    %dma_start3A_30 = tpu.memref_squeeze %dma_start3A_29 : memref<1x128xi32, #tpu.memory_space<vmem>> -> memref<128xi32, #tpu.memory_space<vmem>>
    %dma_start3A_31 = arith.constant 0 : i32
    %dma_start3A_32 = arith.constant 0 : i32
    %dma_start3A_33 = tpu.memref_slice %arg4[%dma_start3A_31, %dma_start3A_32] : memref<1000000x32xf32, #tpu.memory_space<hbm>> -> memref<1000000x32xf32, #tpu.memory_space<hbm>>
    tpu.enqueue_indirect_dma source(%dma_start3A_33 : memref<1000000x32xf32, #tpu.memory_space<hbm>>) target(%dma_start3A_27 : memref<128x32xf32, #tpu.memory_space<vmem>>) offsets(%dma_start3A_30 : memref<128xi32, #tpu.memory_space<vmem>>) semaphore(%arg16 : memref<!tpu.dma_semaphore, #tpu.memory_space<semaphore_mem>>)
    %dma_start3A_34 = arith.constant 1 : i32
    %dma_start3A_35 = arith.constant 128 : i32
    %dma_start3A_36 = arith.constant 0 : i32
    %dma_start3A_37 = tpu.memref_slice %arg12[%dma_start3A_35, %dma_start3A_36] : memref<512x32xf32, #tpu.memory_space<vmem>> -> memref<128x32xf32, #tpu.memory_space<vmem>>
    %dma_start3A_38 = arith.constant 0 : i32
    %dma_start3A_39 = tpu.memref_slice %arg10[%dma_start3A_34, %dma_start3A_38] : memref<4x128xi32, #tpu.memory_space<vmem>> -> memref<1x128xi32, #tpu.memory_space<vmem>>
    %dma_start3A_40 = tpu.memref_squeeze %dma_start3A_39 : memref<1x128xi32, #tpu.memory_space<vmem>> -> memref<128xi32, #tpu.memory_space<vmem>>
    %dma_start3A_41 = arith.constant 0 : i32
    %dma_start3A_42 = arith.constant 0 : i32
    %dma_start3A_43 = tpu.memref_slice %arg5[%dma_start3A_41, %dma_start3A_42] : memref<1000000x32xf32, #tpu.memory_space<hbm>> -> memref<1000000x32xf32, #tpu.memory_space<hbm>>
    tpu.enqueue_indirect_dma source(%dma_start3A_43 : memref<1000000x32xf32, #tpu.memory_space<hbm>>) target(%dma_start3A_37 : memref<128x32xf32, #tpu.memory_space<vmem>>) offsets(%dma_start3A_40 : memref<128xi32, #tpu.memory_space<vmem>>) semaphore(%arg16 : memref<!tpu.dma_semaphore, #tpu.memory_space<semaphore_mem>>)
    %dma_start3A_44 = arith.constant 2 : i32
    %dma_start3A_45 = arith.constant 256 : i32
    %dma_start3A_46 = arith.constant 0 : i32
    %dma_start3A_47 = tpu.memref_slice %arg11[%dma_start3A_45, %dma_start3A_46] : memref<512x32xf32, #tpu.memory_space<vmem>> -> memref<128x32xf32, #tpu.memory_space<vmem>>
    %dma_start3A_48 = arith.constant 0 : i32
    %dma_start3A_49 = tpu.memref_slice %arg9[%dma_start3A_44, %dma_start3A_48] : memref<4x128xi32, #tpu.memory_space<vmem>> -> memref<1x128xi32, #tpu.memory_space<vmem>>
    %dma_start3A_50 = tpu.memref_squeeze %dma_start3A_49 : memref<1x128xi32, #tpu.memory_space<vmem>> -> memref<128xi32, #tpu.memory_space<vmem>>
    %dma_start3A_51 = arith.constant 0 : i32
    %dma_start3A_52 = arith.constant 0 : i32
    %dma_start3A_53 = tpu.memref_slice %arg4[%dma_start3A_51, %dma_start3A_52] : memref<1000000x32xf32, #tpu.memory_space<hbm>> -> memref<1000000x32xf32, #tpu.memory_space<hbm>>
    tpu.enqueue_indirect_dma source(%dma_start3A_53 : memref<1000000x32xf32, #tpu.memory_space<hbm>>) target(%dma_start3A_47 : memref<128x32xf32, #tpu.memory_space<vmem>>) offsets(%dma_start3A_50 : memref<128xi32, #tpu.memory_space<vmem>>) semaphore(%arg16 : memref<!tpu.dma_semaphore, #tpu.memory_space<semaphore_mem>>)
    %dma_start3A_54 = arith.constant 2 : i32
    %dma_start3A_55 = arith.constant 256 : i32
    %dma_start3A_56 = arith.constant 0 : i32
    %dma_start3A_57 = tpu.memref_slice %arg12[%dma_start3A_55, %dma_start3A_56] : memref<512x32xf32, #tpu.memory_space<vmem>> -> memref<128x32xf32, #tpu.memory_space<vmem>>
    %dma_start3A_58 = arith.constant 0 : i32
    %dma_start3A_59 = tpu.memref_slice %arg10[%dma_start3A_54, %dma_start3A_58] : memref<4x128xi32, #tpu.memory_space<vmem>> -> memref<1x128xi32, #tpu.memory_space<vmem>>
    %dma_start3A_60 = tpu.memref_squeeze %dma_start3A_59 : memref<1x128xi32, #tpu.memory_space<vmem>> -> memref<128xi32, #tpu.memory_space<vmem>>
    %dma_start3A_61 = arith.constant 0 : i32
    %dma_start3A_62 = arith.constant 0 : i32
    %dma_start3A_63 = tpu.memref_slice %arg5[%dma_start3A_61, %dma_start3A_62] : memref<1000000x32xf32, #tpu.memory_space<hbm>> -> memref<1000000x32xf32, #tpu.memory_space<hbm>>
    tpu.enqueue_indirect_dma source(%dma_start3A_63 : memref<1000000x32xf32, #tpu.memory_space<hbm>>) target(%dma_start3A_57 : memref<128x32xf32, #tpu.memory_space<vmem>>) offsets(%dma_start3A_60 : memref<128xi32, #tpu.memory_space<vmem>>) semaphore(%arg16 : memref<!tpu.dma_semaphore, #tpu.memory_space<semaphore_mem>>)
    %dma_start3A_64 = arith.constant 3 : i32
    %dma_start3A_65 = arith.constant 384 : i32
    %dma_start3A_66 = arith.constant 0 : i32
    %dma_start3A_67 = tpu.memref_slice %arg11[%dma_start3A_65, %dma_start3A_66] : memref<512x32xf32, #tpu.memory_space<vmem>> -> memref<128x32xf32, #tpu.memory_space<vmem>>
    %dma_start3A_68 = arith.constant 0 : i32
    %dma_start3A_69 = tpu.memref_slice %arg9[%dma_start3A_64, %dma_start3A_68] : memref<4x128xi32, #tpu.memory_space<vmem>> -> memref<1x128xi32, #tpu.memory_space<vmem>>
    %dma_start3A_70 = tpu.memref_squeeze %dma_start3A_69 : memref<1x128xi32, #tpu.memory_space<vmem>> -> memref<128xi32, #tpu.memory_space<vmem>>
    %dma_start3A_71 = arith.constant 0 : i32
    %dma_start3A_72 = arith.constant 0 : i32
    %dma_start3A_73 = tpu.memref_slice %arg4[%dma_start3A_71, %dma_start3A_72] : memref<1000000x32xf32, #tpu.memory_space<hbm>> -> memref<1000000x32xf32, #tpu.memory_space<hbm>>
    tpu.enqueue_indirect_dma source(%dma_start3A_73 : memref<1000000x32xf32, #tpu.memory_space<hbm>>) target(%dma_start3A_67 : memref<128x32xf32, #tpu.memory_space<vmem>>) offsets(%dma_start3A_70 : memref<128xi32, #tpu.memory_space<vmem>>) semaphore(%arg16 : memref<!tpu.dma_semaphore, #tpu.memory_space<semaphore_mem>>)
    %dma_start3A_74 = arith.constant 3 : i32
    %dma_start3A_75 = arith.constant 384 : i32
    %dma_start3A_76 = arith.constant 0 : i32
    %dma_start3A_77 = tpu.memref_slice %arg12[%dma_start3A_75, %dma_start3A_76] : memref<512x32xf32, #tpu.memory_space<vmem>> -> memref<128x32xf32, #tpu.memory_space<vmem>>
    %dma_start3A_78 = arith.constant 0 : i32
    %dma_start3A_79 = tpu.memref_slice %arg10[%dma_start3A_74, %dma_start3A_78] : memref<4x128xi32, #tpu.memory_space<vmem>> -> memref<1x128xi32, #tpu.memory_space<vmem>>
    %dma_start3A_80 = tpu.memref_squeeze %dma_start3A_79 : memref<1x128xi32, #tpu.memory_space<vmem>> -> memref<128xi32, #tpu.memory_space<vmem>>
    %dma_start3A_81 = arith.constant 0 : i32
    %dma_start3A_82 = arith.constant 0 : i32
    %dma_start3A_83 = tpu.memref_slice %arg5[%dma_start3A_81, %dma_start3A_82] : memref<1000000x32xf32, #tpu.memory_space<hbm>> -> memref<1000000x32xf32, #tpu.memory_space<hbm>>
    tpu.enqueue_indirect_dma source(%dma_start3A_83 : memref<1000000x32xf32, #tpu.memory_space<hbm>>) target(%dma_start3A_77 : memref<128x32xf32, #tpu.memory_space<vmem>>) offsets(%dma_start3A_80 : memref<128xi32, #tpu.memory_space<vmem>>) semaphore(%arg16 : memref<!tpu.dma_semaphore, #tpu.memory_space<semaphore_mem>>)
    %dma_wait3A = arith.constant 0 : i32
    %dma_wait3A_84 = arith.constant 0 : i32
    %dma_wait3A_85 = arith.constant 0 : i32
    %dma_wait3A_86 = tpu.memref_slice %arg11[%dma_wait3A_84, %dma_wait3A_85] : memref<512x32xf32, #tpu.memory_space<vmem>> -> memref<128x32xf32, #tpu.memory_space<vmem>>
    %dma_wait3A_87 = arith.constant 0 : i32
    %dma_wait3A_88 = tpu.memref_slice %arg9[%dma_wait3A, %dma_wait3A_87] : memref<4x128xi32, #tpu.memory_space<vmem>> -> memref<1x128xi32, #tpu.memory_space<vmem>>
    %dma_wait3A_89 = tpu.memref_squeeze %dma_wait3A_88 : memref<1x128xi32, #tpu.memory_space<vmem>> -> memref<128xi32, #tpu.memory_space<vmem>>
    %dma_wait3A_90 = arith.constant 0 : i32
    %dma_wait3A_91 = arith.constant 0 : i32
    %dma_wait3A_92 = tpu.memref_slice %arg4[%dma_wait3A_90, %dma_wait3A_91] : memref<1000000x32xf32, #tpu.memory_space<hbm>> -> memref<1000000x32xf32, #tpu.memory_space<hbm>>
    tpu.wait_indirect_dma semaphore(%arg16 : memref<!tpu.dma_semaphore, #tpu.memory_space<semaphore_mem>>) src(%dma_wait3A_92 : memref<1000000x32xf32, #tpu.memory_space<hbm>>) dst(%dma_wait3A_86 : memref<128x32xf32, #tpu.memory_space<vmem>>)
    %dma_wait3A_93 = arith.constant 0 : i32
    %dma_wait3A_94 = arith.constant 0 : i32
    %dma_wait3A_95 = arith.constant 0 : i32
    %dma_wait3A_96 = tpu.memref_slice %arg12[%dma_wait3A_94, %dma_wait3A_95] : memref<512x32xf32, #tpu.memory_space<vmem>> -> memref<128x32xf32, #tpu.memory_space<vmem>>
    %dma_wait3A_97 = arith.constant 0 : i32
    %dma_wait3A_98 = tpu.memref_slice %arg10[%dma_wait3A_93, %dma_wait3A_97] : memref<4x128xi32, #tpu.memory_space<vmem>> -> memref<1x128xi32, #tpu.memory_space<vmem>>
    %dma_wait3A_99 = tpu.memref_squeeze %dma_wait3A_98 : memref<1x128xi32, #tpu.memory_space<vmem>> -> memref<128xi32, #tpu.memory_space<vmem>>
    %dma_wait3A_100 = arith.constant 0 : i32
    %dma_wait3A_101 = arith.constant 0 : i32
    %dma_wait3A_102 = tpu.memref_slice %arg5[%dma_wait3A_100, %dma_wait3A_101] : memref<1000000x32xf32, #tpu.memory_space<hbm>> -> memref<1000000x32xf32, #tpu.memory_space<hbm>>
    tpu.wait_indirect_dma semaphore(%arg16 : memref<!tpu.dma_semaphore, #tpu.memory_space<semaphore_mem>>) src(%dma_wait3A_102 : memref<1000000x32xf32, #tpu.memory_space<hbm>>) dst(%dma_wait3A_96 : memref<128x32xf32, #tpu.memory_space<vmem>>)
    %dma_wait3A_103 = arith.constant 1 : i32
    %dma_wait3A_104 = arith.constant 128 : i32
    %dma_wait3A_105 = arith.constant 0 : i32
    %dma_wait3A_106 = tpu.memref_slice %arg11[%dma_wait3A_104, %dma_wait3A_105] : memref<512x32xf32, #tpu.memory_space<vmem>> -> memref<128x32xf32, #tpu.memory_space<vmem>>
    %dma_wait3A_107 = arith.constant 0 : i32
    %dma_wait3A_108 = tpu.memref_slice %arg9[%dma_wait3A_103, %dma_wait3A_107] : memref<4x128xi32, #tpu.memory_space<vmem>> -> memref<1x128xi32, #tpu.memory_space<vmem>>
    %dma_wait3A_109 = tpu.memref_squeeze %dma_wait3A_108 : memref<1x128xi32, #tpu.memory_space<vmem>> -> memref<128xi32, #tpu.memory_space<vmem>>
    %dma_wait3A_110 = arith.constant 0 : i32
    %dma_wait3A_111 = arith.constant 0 : i32
    %dma_wait3A_112 = tpu.memref_slice %arg4[%dma_wait3A_110, %dma_wait3A_111] : memref<1000000x32xf32, #tpu.memory_space<hbm>> -> memref<1000000x32xf32, #tpu.memory_space<hbm>>
    tpu.wait_indirect_dma semaphore(%arg16 : memref<!tpu.dma_semaphore, #tpu.memory_space<semaphore_mem>>) src(%dma_wait3A_112 : memref<1000000x32xf32, #tpu.memory_space<hbm>>) dst(%dma_wait3A_106 : memref<128x32xf32, #tpu.memory_space<vmem>>)
    %dma_wait3A_113 = arith.constant 1 : i32
    %dma_wait3A_114 = arith.constant 128 : i32
    %dma_wait3A_115 = arith.constant 0 : i32
    %dma_wait3A_116 = tpu.memref_slice %arg12[%dma_wait3A_114, %dma_wait3A_115] : memref<512x32xf32, #tpu.memory_space<vmem>> -> memref<128x32xf32, #tpu.memory_space<vmem>>
    %dma_wait3A_117 = arith.constant 0 : i32
    %dma_wait3A_118 = tpu.memref_slice %arg10[%dma_wait3A_113, %dma_wait3A_117] : memref<4x128xi32, #tpu.memory_space<vmem>> -> memref<1x128xi32, #tpu.memory_space<vmem>>
    %dma_wait3A_119 = tpu.memref_squeeze %dma_wait3A_118 : memref<1x128xi32, #tpu.memory_space<vmem>> -> memref<128xi32, #tpu.memory_space<vmem>>
    %dma_wait3A_120 = arith.constant 0 : i32
    %dma_wait3A_121 = arith.constant 0 : i32
    %dma_wait3A_122 = tpu.memref_slice %arg5[%dma_wait3A_120, %dma_wait3A_121] : memref<1000000x32xf32, #tpu.memory_space<hbm>> -> memref<1000000x32xf32, #tpu.memory_space<hbm>>
    tpu.wait_indirect_dma semaphore(%arg16 : memref<!tpu.dma_semaphore, #tpu.memory_space<semaphore_mem>>) src(%dma_wait3A_122 : memref<1000000x32xf32, #tpu.memory_space<hbm>>) dst(%dma_wait3A_116 : memref<128x32xf32, #tpu.memory_space<vmem>>)
    %dma_wait3A_123 = arith.constant 2 : i32
    %dma_wait3A_124 = arith.constant 256 : i32
    %dma_wait3A_125 = arith.constant 0 : i32
    %dma_wait3A_126 = tpu.memref_slice %arg11[%dma_wait3A_124, %dma_wait3A_125] : memref<512x32xf32, #tpu.memory_space<vmem>> -> memref<128x32xf32, #tpu.memory_space<vmem>>
    %dma_wait3A_127 = arith.constant 0 : i32
    %dma_wait3A_128 = tpu.memref_slice %arg9[%dma_wait3A_123, %dma_wait3A_127] : memref<4x128xi32, #tpu.memory_space<vmem>> -> memref<1x128xi32, #tpu.memory_space<vmem>>
    %dma_wait3A_129 = tpu.memref_squeeze %dma_wait3A_128 : memref<1x128xi32, #tpu.memory_space<vmem>> -> memref<128xi32, #tpu.memory_space<vmem>>
    %dma_wait3A_130 = arith.constant 0 : i32
    %dma_wait3A_131 = arith.constant 0 : i32
    %dma_wait3A_132 = tpu.memref_slice %arg4[%dma_wait3A_130, %dma_wait3A_131] : memref<1000000x32xf32, #tpu.memory_space<hbm>> -> memref<1000000x32xf32, #tpu.memory_space<hbm>>
    tpu.wait_indirect_dma semaphore(%arg16 : memref<!tpu.dma_semaphore, #tpu.memory_space<semaphore_mem>>) src(%dma_wait3A_132 : memref<1000000x32xf32, #tpu.memory_space<hbm>>) dst(%dma_wait3A_126 : memref<128x32xf32, #tpu.memory_space<vmem>>)
    %dma_wait3A_133 = arith.constant 2 : i32
    %dma_wait3A_134 = arith.constant 256 : i32
    %dma_wait3A_135 = arith.constant 0 : i32
    %dma_wait3A_136 = tpu.memref_slice %arg12[%dma_wait3A_134, %dma_wait3A_135] : memref<512x32xf32, #tpu.memory_space<vmem>> -> memref<128x32xf32, #tpu.memory_space<vmem>>
    %dma_wait3A_137 = arith.constant 0 : i32
    %dma_wait3A_138 = tpu.memref_slice %arg10[%dma_wait3A_133, %dma_wait3A_137] : memref<4x128xi32, #tpu.memory_space<vmem>> -> memref<1x128xi32, #tpu.memory_space<vmem>>
    %dma_wait3A_139 = tpu.memref_squeeze %dma_wait3A_138 : memref<1x128xi32, #tpu.memory_space<vmem>> -> memref<128xi32, #tpu.memory_space<vmem>>
    %dma_wait3A_140 = arith.constant 0 : i32
    %dma_wait3A_141 = arith.constant 0 : i32
    %dma_wait3A_142 = tpu.memref_slice %arg5[%dma_wait3A_140, %dma_wait3A_141] : memref<1000000x32xf32, #tpu.memory_space<hbm>> -> memref<1000000x32xf32, #tpu.memory_space<hbm>>
    tpu.wait_indirect_dma semaphore(%arg16 : memref<!tpu.dma_semaphore, #tpu.memory_space<semaphore_mem>>) src(%dma_wait3A_142 : memref<1000000x32xf32, #tpu.memory_space<hbm>>) dst(%dma_wait3A_136 : memref<128x32xf32, #tpu.memory_space<vmem>>)
    %dma_wait3A_143 = arith.constant 3 : i32
    %dma_wait3A_144 = arith.constant 384 : i32
    %dma_wait3A_145 = arith.constant 0 : i32
    %dma_wait3A_146 = tpu.memref_slice %arg11[%dma_wait3A_144, %dma_wait3A_145] : memref<512x32xf32, #tpu.memory_space<vmem>> -> memref<128x32xf32, #tpu.memory_space<vmem>>
    %dma_wait3A_147 = arith.constant 0 : i32
    %dma_wait3A_148 = tpu.memref_slice %arg9[%dma_wait3A_143, %dma_wait3A_147] : memref<4x128xi32, #tpu.memory_space<vmem>> -> memref<1x128xi32, #tpu.memory_space<vmem>>
    %dma_wait3A_149 = tpu.memref_squeeze %dma_wait3A_148 : memref<1x128xi32, #tpu.memory_space<vmem>> -> memref<128xi32, #tpu.memory_space<vmem>>
    %dma_wait3A_150 = arith.constant 0 : i32
    %dma_wait3A_151 = arith.constant 0 : i32
    %dma_wait3A_152 = tpu.memref_slice %arg4[%dma_wait3A_150, %dma_wait3A_151] : memref<1000000x32xf32, #tpu.memory_space<hbm>> -> memref<1000000x32xf32, #tpu.memory_space<hbm>>
    tpu.wait_indirect_dma semaphore(%arg16 : memref<!tpu.dma_semaphore, #tpu.memory_space<semaphore_mem>>) src(%dma_wait3A_152 : memref<1000000x32xf32, #tpu.memory_space<hbm>>) dst(%dma_wait3A_146 : memref<128x32xf32, #tpu.memory_space<vmem>>)
    %dma_wait3A_153 = arith.constant 3 : i32
    %dma_wait3A_154 = arith.constant 384 : i32
    %dma_wait3A_155 = arith.constant 0 : i32
    %dma_wait3A_156 = tpu.memref_slice %arg12[%dma_wait3A_154, %dma_wait3A_155] : memref<512x32xf32, #tpu.memory_space<vmem>> -> memref<128x32xf32, #tpu.memory_space<vmem>>
    %dma_wait3A_157 = arith.constant 0 : i32
    %dma_wait3A_158 = tpu.memref_slice %arg10[%dma_wait3A_153, %dma_wait3A_157] : memref<4x128xi32, #tpu.memory_space<vmem>> -> memref<1x128xi32, #tpu.memory_space<vmem>>
    %dma_wait3A_159 = tpu.memref_squeeze %dma_wait3A_158 : memref<1x128xi32, #tpu.memory_space<vmem>> -> memref<128xi32, #tpu.memory_space<vmem>>
    %dma_wait3A_160 = arith.constant 0 : i32
    %dma_wait3A_161 = arith.constant 0 : i32
    %dma_wait3A_162 = tpu.memref_slice %arg5[%dma_wait3A_160, %dma_wait3A_161] : memref<1000000x32xf32, #tpu.memory_space<hbm>> -> memref<1000000x32xf32, #tpu.memory_space<hbm>>
    tpu.wait_indirect_dma semaphore(%arg16 : memref<!tpu.dma_semaphore, #tpu.memory_space<semaphore_mem>>) src(%dma_wait3A_162 : memref<1000000x32xf32, #tpu.memory_space<hbm>>) dst(%dma_wait3A_156 : memref<128x32xf32, #tpu.memory_space<vmem>>)
    %iota3A = tpu.iota {dimensions = array<i32: 0>} : vector<16xi32>
    %get3A = arith.constant 0 : i32
    %get3A_163 = arith.index_cast %get3A : i32 to index
    %get3A_164 = arith.constant 0 : index
    %get3A_165 = tpu.vector_load %arg14[%get3A_163, %get3A_164] {strides = array<i32>} : memref<32x16xf32, #tpu.memory_space<vmem>>, vector<16xf32>,
    %get3A_166 = arith.constant 1 : i32
    %get3A_167 = arith.index_cast %get3A_166 : i32 to index
    %get3A_168 = arith.constant 0 : index
    %get3A_169 = tpu.vector_load %arg14[%get3A_167, %get3A_168] {strides = array<i32>} : memref<32x16xf32, #tpu.memory_space<vmem>>, vector<16xf32>,
    %get3A_170 = arith.constant 2 : i32
    %get3A_171 = arith.index_cast %get3A_170 : i32 to index
    %get3A_172 = arith.constant 0 : index
    %get3A_173 = tpu.vector_load %arg14[%get3A_171, %get3A_172] {strides = array<i32>} : memref<32x16xf32, #tpu.memory_space<vmem>>, vector<16xf32>,
    %get3A_174 = arith.constant 3 : i32
    %get3A_175 = arith.index_cast %get3A_174 : i32 to index
    %get3A_176 = arith.constant 0 : index
    %get3A_177 = tpu.vector_load %arg14[%get3A_175, %get3A_176] {strides = array<i32>} : memref<32x16xf32, #tpu.memory_space<vmem>>, vector<16xf32>,
    %get3A_178 = arith.constant 4 : i32
    %get3A_179 = arith.index_cast %get3A_178 : i32 to index
    %get3A_180 = arith.constant 0 : index
    %get3A_181 = tpu.vector_load %arg14[%get3A_179, %get3A_180] {strides = array<i32>} : memref<32x16xf32, #tpu.memory_space<vmem>>, vector<16xf32>,
    %get3A_182 = arith.constant 5 : i32
    %get3A_183 = arith.index_cast %get3A_182 : i32 to index
    %get3A_184 = arith.constant 0 : index
    %get3A_185 = tpu.vector_load %arg14[%get3A_183, %get3A_184] {strides = array<i32>} : memref<32x16xf32, #tpu.memory_space<vmem>>, vector<16xf32>,
    %get3A_186 = arith.constant 6 : i32
    %get3A_187 = arith.index_cast %get3A_186 : i32 to index
    %get3A_188 = arith.constant 0 : index
    %get3A_189 = tpu.vector_load %arg14[%get3A_187, %get3A_188] {strides = array<i32>} : memref<32x16xf32, #tpu.memory_space<vmem>>, vector<16xf32>,
    %get3A_190 = arith.constant 7 : i32
    %get3A_191 = arith.index_cast %get3A_190 : i32 to index
    %get3A_192 = arith.constant 0 : index
    %get3A_193 = tpu.vector_load %arg14[%get3A_191, %get3A_192] {strides = array<i32>} : memref<32x16xf32, #tpu.memory_space<vmem>>, vector<16xf32>,
    %get3A_194 = arith.constant 8 : i32
    %get3A_195 = arith.index_cast %get3A_194 : i32 to index
    %get3A_196 = arith.constant 0 : index
    %get3A_197 = tpu.vector_load %arg14[%get3A_195, %get3A_196] {strides = array<i32>} : memref<32x16xf32, #tpu.memory_space<vmem>>, vector<16xf32>,
    %get3A_198 = arith.constant 9 : i32
    %get3A_199 = arith.index_cast %get3A_198 : i32 to index
    %get3A_200 = arith.constant 0 : index
    %get3A_201 = tpu.vector_load %arg14[%get3A_199, %get3A_200] {strides = array<i32>} : memref<32x16xf32, #tpu.memory_space<vmem>>, vector<16xf32>,
    %get3A_202 = arith.constant 10 : i32
    %get3A_203 = arith.index_cast %get3A_202 : i32 to index
    %get3A_204 = arith.constant 0 : index
    %get3A_205 = tpu.vector_load %arg14[%get3A_203, %get3A_204] {strides = array<i32>} : memref<32x16xf32, #tpu.memory_space<vmem>>, vector<16xf32>,
    %get3A_206 = arith.constant 11 : i32
    %get3A_207 = arith.index_cast %get3A_206 : i32 to index
    %get3A_208 = arith.constant 0 : index
    %get3A_209 = tpu.vector_load %arg14[%get3A_207, %get3A_208] {strides = array<i32>} : memref<32x16xf32, #tpu.memory_space<vmem>>, vector<16xf32>,
    %get3A_210 = arith.constant 12 : i32
    %get3A_211 = arith.index_cast %get3A_210 : i32 to index
    %get3A_212 = arith.constant 0 : index
    %get3A_213 = tpu.vector_load %arg14[%get3A_211, %get3A_212] {strides = array<i32>} : memref<32x16xf32, #tpu.memory_space<vmem>>, vector<16xf32>,
    %get3A_214 = arith.constant 13 : i32
    %get3A_215 = arith.index_cast %get3A_214 : i32 to index
    %get3A_216 = arith.constant 0 : index
    %get3A_217 = tpu.vector_load %arg14[%get3A_215, %get3A_216] {strides = array<i32>} : memref<32x16xf32, #tpu.memory_space<vmem>>, vector<16xf32>,
    %get3A_218 = arith.constant 14 : i32
    %get3A_219 = arith.index_cast %get3A_218 : i32 to index
    %get3A_220 = arith.constant 0 : index
    %get3A_221 = tpu.vector_load %arg14[%get3A_219, %get3A_220] {strides = array<i32>} : memref<32x16xf32, #tpu.memory_space<vmem>>, vector<16xf32>,
    %get3A_222 = arith.constant 15 : i32
    %get3A_223 = arith.index_cast %get3A_222 : i32 to index
    %get3A_224 = arith.constant 0 : index
    %get3A_225 = tpu.vector_load %arg14[%get3A_223, %get3A_224] {strides = array<i32>} : memref<32x16xf32, #tpu.memory_space<vmem>>, vector<16xf32>,
    %get3A_226 = arith.constant 16 : i32
    %get3A_227 = arith.index_cast %get3A_226 : i32 to index
    %get3A_228 = arith.constant 0 : index
    %get3A_229 = tpu.vector_load %arg14[%get3A_227, %get3A_228] {strides = array<i32>} : memref<32x16xf32, #tpu.memory_space<vmem>>, vector<16xf32>,
    %get3A_230 = arith.constant 17 : i32
    %get3A_231 = arith.index_cast %get3A_230 : i32 to index
    %get3A_232 = arith.constant 0 : index
    %get3A_233 = tpu.vector_load %arg14[%get3A_231, %get3A_232] {strides = array<i32>} : memref<32x16xf32, #tpu.memory_space<vmem>>, vector<16xf32>,
    %get3A_234 = arith.constant 18 : i32
    %get3A_235 = arith.index_cast %get3A_234 : i32 to index
    %get3A_236 = arith.constant 0 : index
    %get3A_237 = tpu.vector_load %arg14[%get3A_235, %get3A_236] {strides = array<i32>} : memref<32x16xf32, #tpu.memory_space<vmem>>, vector<16xf32>,
    %get3A_238 = arith.constant 19 : i32
    %get3A_239 = arith.index_cast %get3A_238 : i32 to index
    %get3A_240 = arith.constant 0 : index
    %get3A_241 = tpu.vector_load %arg14[%get3A_239, %get3A_240] {strides = array<i32>} : memref<32x16xf32, #tpu.memory_space<vmem>>, vector<16xf32>,
    %get3A_242 = arith.constant 20 : i32
    %get3A_243 = arith.index_cast %get3A_242 : i32 to index
    %get3A_244 = arith.constant 0 : index
    %get3A_245 = tpu.vector_load %arg14[%get3A_243, %get3A_244] {strides = array<i32>} : memref<32x16xf32, #tpu.memory_space<vmem>>, vector<16xf32>,
    %get3A_246 = arith.constant 21 : i32
    %get3A_247 = arith.index_cast %get3A_246 : i32 to index
    %get3A_248 = arith.constant 0 : index
    %get3A_249 = tpu.vector_load %arg14[%get3A_247, %get3A_248] {strides = array<i32>} : memref<32x16xf32, #tpu.memory_space<vmem>>, vector<16xf32>,
    %get3A_250 = arith.constant 22 : i32
    %get3A_251 = arith.index_cast %get3A_250 : i32 to index
    %get3A_252 = arith.constant 0 : index
    %get3A_253 = tpu.vector_load %arg14[%get3A_251, %get3A_252] {strides = array<i32>} : memref<32x16xf32, #tpu.memory_space<vmem>>, vector<16xf32>,
    %get3A_254 = arith.constant 23 : i32
    %get3A_255 = arith.index_cast %get3A_254 : i32 to index
    %get3A_256 = arith.constant 0 : index
    %get3A_257 = tpu.vector_load %arg14[%get3A_255, %get3A_256] {strides = array<i32>} : memref<32x16xf32, #tpu.memory_space<vmem>>, vector<16xf32>,
    %get3A_258 = arith.constant 24 : i32
    %get3A_259 = arith.index_cast %get3A_258 : i32 to index
    %get3A_260 = arith.constant 0 : index
    %get3A_261 = tpu.vector_load %arg14[%get3A_259, %get3A_260] {strides = array<i32>} : memref<32x16xf32, #tpu.memory_space<vmem>>, vector<16xf32>,
    %get3A_262 = arith.constant 25 : i32
    %get3A_263 = arith.index_cast %get3A_262 : i32 to index
    %get3A_264 = arith.constant 0 : index
    %get3A_265 = tpu.vector_load %arg14[%get3A_263, %get3A_264] {strides = array<i32>} : memref<32x16xf32, #tpu.memory_space<vmem>>, vector<16xf32>,
    %get3A_266 = arith.constant 26 : i32
    %get3A_267 = arith.index_cast %get3A_266 : i32 to index
    %get3A_268 = arith.constant 0 : index
    %get3A_269 = tpu.vector_load %arg14[%get3A_267, %get3A_268] {strides = array<i32>} : memref<32x16xf32, #tpu.memory_space<vmem>>, vector<16xf32>,
    %get3A_270 = arith.constant 27 : i32
    %get3A_271 = arith.index_cast %get3A_270 : i32 to index
    %get3A_272 = arith.constant 0 : index
    %get3A_273 = tpu.vector_load %arg14[%get3A_271, %get3A_272] {strides = array<i32>} : memref<32x16xf32, #tpu.memory_space<vmem>>, vector<16xf32>,
    %get3A_274 = arith.constant 28 : i32
    %get3A_275 = arith.index_cast %get3A_274 : i32 to index
    %get3A_276 = arith.constant 0 : index
    %get3A_277 = tpu.vector_load %arg14[%get3A_275, %get3A_276] {strides = array<i32>} : memref<32x16xf32, #tpu.memory_space<vmem>>, vector<16xf32>,
    %get3A_278 = arith.constant 29 : i32
    %get3A_279 = arith.index_cast %get3A_278 : i32 to index
    %get3A_280 = arith.constant 0 : index
    %get3A_281 = tpu.vector_load %arg14[%get3A_279, %get3A_280] {strides = array<i32>} : memref<32x16xf32, #tpu.memory_space<vmem>>, vector<16xf32>,
    %get3A_282 = arith.constant 30 : i32
    %get3A_283 = arith.index_cast %get3A_282 : i32 to index
    %get3A_284 = arith.constant 0 : index
    %get3A_285 = tpu.vector_load %arg14[%get3A_283, %get3A_284] {strides = array<i32>} : memref<32x16xf32, #tpu.memory_space<vmem>>, vector<16xf32>,
    %get3A_286 = arith.constant 31 : i32
    %get3A_287 = arith.index_cast %get3A_286 : i32 to index
    %get3A_288 = arith.constant 0 : index
    %get3A_289 = tpu.vector_load %arg14[%get3A_287, %get3A_288] {strides = array<i32>} : memref<32x16xf32, #tpu.memory_space<vmem>>, vector<16xf32>,
    %broadcast_in_dim3A = arith.constant 0 : i32
    %broadcast_in_dim3A_290 = vector.broadcast %broadcast_in_dim3A : i32 to vector<16xi32>
    %broadcast_in_dim3A_291 = arith.constant 1 : i32
    %broadcast_in_dim3A_292 = vector.broadcast %broadcast_in_dim3A_291 : i32 to vector<16xi32>
    %broadcast_in_dim3A_293 = arith.constant 2 : i32
    %broadcast_in_dim3A_294 = vector.broadcast %broadcast_in_dim3A_293 : i32 to vector<16xi32>
    %broadcast_in_dim3A_295 = arith.constant 3 : i32
    %broadcast_in_dim3A_296 = vector.broadcast %broadcast_in_dim3A_295 : i32 to vector<16xi32>
    %broadcast_in_dim3A_297 = arith.constant 4 : i32
    %broadcast_in_dim3A_298 = vector.broadcast %broadcast_in_dim3A_297 : i32 to vector<16xi32>
    %broadcast_in_dim3A_299 = arith.constant 5 : i32
    %broadcast_in_dim3A_300 = vector.broadcast %broadcast_in_dim3A_299 : i32 to vector<16xi32>
    %broadcast_in_dim3A_301 = arith.constant 6 : i32
    %broadcast_in_dim3A_302 = vector.broadcast %broadcast_in_dim3A_301 : i32 to vector<16xi32>
    %broadcast_in_dim3A_303 = arith.constant 7 : i32
    %broadcast_in_dim3A_304 = vector.broadcast %broadcast_in_dim3A_303 : i32 to vector<16xi32>
    %broadcast_in_dim3A_305 = arith.constant 8 : i32
    %broadcast_in_dim3A_306 = vector.broadcast %broadcast_in_dim3A_305 : i32 to vector<16xi32>
    %broadcast_in_dim3A_307 = arith.constant 9 : i32
    %broadcast_in_dim3A_308 = vector.broadcast %broadcast_in_dim3A_307 : i32 to vector<16xi32>
    %broadcast_in_dim3A_309 = arith.constant 10 : i32
    %broadcast_in_dim3A_310 = vector.broadcast %broadcast_in_dim3A_309 : i32 to vector<16xi32>
    %broadcast_in_dim3A_311 = arith.constant 11 : i32
    %broadcast_in_dim3A_312 = vector.broadcast %broadcast_in_dim3A_311 : i32 to vector<16xi32>
    %broadcast_in_dim3A_313 = arith.constant 12 : i32
    %broadcast_in_dim3A_314 = vector.broadcast %broadcast_in_dim3A_313 : i32 to vector<16xi32>
    %broadcast_in_dim3A_315 = arith.constant 13 : i32
    %broadcast_in_dim3A_316 = vector.broadcast %broadcast_in_dim3A_315 : i32 to vector<16xi32>
    %broadcast_in_dim3A_317 = arith.constant 14 : i32
    %broadcast_in_dim3A_318 = vector.broadcast %broadcast_in_dim3A_317 : i32 to vector<16xi32>
    %broadcast_in_dim3A_319 = arith.constant 15 : i32
    %broadcast_in_dim3A_320 = vector.broadcast %broadcast_in_dim3A_319 : i32 to vector<16xi32>
    %broadcast_in_dim3A_321 = arith.constant 16 : i32
    %broadcast_in_dim3A_322 = vector.broadcast %broadcast_in_dim3A_321 : i32 to vector<16xi32>
    %broadcast_in_dim3A_323 = arith.constant 17 : i32
    %broadcast_in_dim3A_324 = vector.broadcast %broadcast_in_dim3A_323 : i32 to vector<16xi32>
    %broadcast_in_dim3A_325 = arith.constant 18 : i32
    %broadcast_in_dim3A_326 = vector.broadcast %broadcast_in_dim3A_325 : i32 to vector<16xi32>
    %broadcast_in_dim3A_327 = arith.constant 19 : i32
    %broadcast_in_dim3A_328 = vector.broadcast %broadcast_in_dim3A_327 : i32 to vector<16xi32>
    %broadcast_in_dim3A_329 = arith.constant 20 : i32
    %broadcast_in_dim3A_330 = vector.broadcast %broadcast_in_dim3A_329 : i32 to vector<16xi32>
    %broadcast_in_dim3A_331 = arith.constant 21 : i32
    %broadcast_in_dim3A_332 = vector.broadcast %broadcast_in_dim3A_331 : i32 to vector<16xi32>
    %broadcast_in_dim3A_333 = arith.constant 22 : i32
    %broadcast_in_dim3A_334 = vector.broadcast %broadcast_in_dim3A_333 : i32 to vector<16xi32>
    %broadcast_in_dim3A_335 = arith.constant 23 : i32
    %broadcast_in_dim3A_336 = vector.broadcast %broadcast_in_dim3A_335 : i32 to vector<16xi32>
    %broadcast_in_dim3A_337 = arith.constant 24 : i32
    %broadcast_in_dim3A_338 = vector.broadcast %broadcast_in_dim3A_337 : i32 to vector<16xi32>
    %broadcast_in_dim3A_339 = arith.constant 25 : i32
    %broadcast_in_dim3A_340 = vector.broadcast %broadcast_in_dim3A_339 : i32 to vector<16xi32>
    %broadcast_in_dim3A_341 = arith.constant 26 : i32
    %broadcast_in_dim3A_342 = vector.broadcast %broadcast_in_dim3A_341 : i32 to vector<16xi32>
    %broadcast_in_dim3A_343 = arith.constant 27 : i32
    %broadcast_in_dim3A_344 = vector.broadcast %broadcast_in_dim3A_343 : i32 to vector<16xi32>
    %broadcast_in_dim3A_345 = arith.constant 28 : i32
    %broadcast_in_dim3A_346 = vector.broadcast %broadcast_in_dim3A_345 : i32 to vector<16xi32>
    %broadcast_in_dim3A_347 = arith.constant 29 : i32
    %broadcast_in_dim3A_348 = vector.broadcast %broadcast_in_dim3A_347 : i32 to vector<16xi32>
    %broadcast_in_dim3A_349 = arith.constant 30 : i32
    %broadcast_in_dim3A_350 = vector.broadcast %broadcast_in_dim3A_349 : i32 to vector<16xi32>
    %broadcast_in_dim3A_351 = arith.constant 31 : i32
    %broadcast_in_dim3A_352 = vector.broadcast %broadcast_in_dim3A_351 : i32 to vector<16xi32>
    %get3A_353 = arith.constant 0 : index
    %get3A_354 = tpu.vector_load %arg15[%get3A_353] {strides = array<i32>} : memref<16xf32, #tpu.memory_space<vmem>>, vector<16xf32>,
    %scan3A = arith.constant 0 : i32
    %scan3A_355 = arith.constant 0 : i32
    %scan3A_356 = arith.constant 32 : i32
    %scan3A_357 = arith.addi %scan3A_355, %scan3A_356 : i32
    %scan3A_358 = arith.constant 1 : i32
    scf.for %scan3A_362 = %scan3A_355 to %scan3A_357 step %scan3A_358  : i32 {
      %mul3A_363 = arith.constant 16 : i32
      %mul3A_364 = arith.muli %scan3A_362, %mul3A_363 : i32
      %multiple_of3A = tpu.assume_multiple %mul3A_364, 16 : i32
      %add3A_365 = vector.broadcast %multiple_of3A : i32 to vector<16xi32>
      %add3A_366 = arith.addi %add3A_365, %iota3A : vector<16xi32>
      %gather3A = tpu.vector_load_idx %arg11[%add3A_366, %broadcast_in_dim3A_290] : memref<512x32xf32, #tpu.memory_space<vmem>>[vector<16xi32>, vector<16xi32>], vector<16xf32>,
      %gather3A_367 = tpu.vector_load_idx %arg12[%add3A_366, %broadcast_in_dim3A_290] : memref<512x32xf32, #tpu.memory_space<vmem>>[vector<16xi32>, vector<16xi32>], vector<16xf32>,
      %mul3A_368 = arith.mulf %gather3A, %gather3A_367 : vector<16xf32>
      %mul3A_369 = arith.mulf %mul3A_368, %get3A_165 : vector<16xf32>
      %add3A_370 = arith.addf %get3A_354, %mul3A_369 : vector<16xf32>
      %gather3A_371 = tpu.vector_load_idx %arg11[%add3A_366, %broadcast_in_dim3A_292] : memref<512x32xf32, #tpu.memory_space<vmem>>[vector<16xi32>, vector<16xi32>], vector<16xf32>,
      %gather3A_372 = tpu.vector_load_idx %arg12[%add3A_366, %broadcast_in_dim3A_292] : memref<512x32xf32, #tpu.memory_space<vmem>>[vector<16xi32>, vector<16xi32>], vector<16xf32>,
      %mul3A_373 = arith.mulf %gather3A_371, %gather3A_372 : vector<16xf32>
      %mul3A_374 = arith.mulf %mul3A_373, %get3A_169 : vector<16xf32>
      %add3A_375 = arith.addf %add3A_370, %mul3A_374 : vector<16xf32>
      %gather3A_376 = tpu.vector_load_idx %arg11[%add3A_366, %broadcast_in_dim3A_294] : memref<512x32xf32, #tpu.memory_space<vmem>>[vector<16xi32>, vector<16xi32>], vector<16xf32>,
      %gather3A_377 = tpu.vector_load_idx %arg12[%add3A_366, %broadcast_in_dim3A_294] : memref<512x32xf32, #tpu.memory_space<vmem>>[vector<16xi32>, vector<16xi32>], vector<16xf32>,
      %mul3A_378 = arith.mulf %gather3A_376, %gather3A_377 : vector<16xf32>
      %mul3A_379 = arith.mulf %mul3A_378, %get3A_173 : vector<16xf32>
      %add3A_380 = arith.addf %add3A_375, %mul3A_379 : vector<16xf32>
      %gather3A_381 = tpu.vector_load_idx %arg11[%add3A_366, %broadcast_in_dim3A_296] : memref<512x32xf32, #tpu.memory_space<vmem>>[vector<16xi32>, vector<16xi32>], vector<16xf32>,
      %gather3A_382 = tpu.vector_load_idx %arg12[%add3A_366, %broadcast_in_dim3A_296] : memref<512x32xf32, #tpu.memory_space<vmem>>[vector<16xi32>, vector<16xi32>], vector<16xf32>,
      %mul3A_383 = arith.mulf %gather3A_381, %gather3A_382 : vector<16xf32>
      %mul3A_384 = arith.mulf %mul3A_383, %get3A_177 : vector<16xf32>
      %add3A_385 = arith.addf %add3A_380, %mul3A_384 : vector<16xf32>
      %gather3A_386 = tpu.vector_load_idx %arg11[%add3A_366, %broadcast_in_dim3A_298] : memref<512x32xf32, #tpu.memory_space<vmem>>[vector<16xi32>, vector<16xi32>], vector<16xf32>,
      %gather3A_387 = tpu.vector_load_idx %arg12[%add3A_366, %broadcast_in_dim3A_298] : memref<512x32xf32, #tpu.memory_space<vmem>>[vector<16xi32>, vector<16xi32>], vector<16xf32>,
      %mul3A_388 = arith.mulf %gather3A_386, %gather3A_387 : vector<16xf32>
      %mul3A_389 = arith.mulf %mul3A_388, %get3A_181 : vector<16xf32>
      %add3A_390 = arith.addf %add3A_385, %mul3A_389 : vector<16xf32>
      %gather3A_391 = tpu.vector_load_idx %arg11[%add3A_366, %broadcast_in_dim3A_300] : memref<512x32xf32, #tpu.memory_space<vmem>>[vector<16xi32>, vector<16xi32>], vector<16xf32>,
      %gather3A_392 = tpu.vector_load_idx %arg12[%add3A_366, %broadcast_in_dim3A_300] : memref<512x32xf32, #tpu.memory_space<vmem>>[vector<16xi32>, vector<16xi32>], vector<16xf32>,
      %mul3A_393 = arith.mulf %gather3A_391, %gather3A_392 : vector<16xf32>
      %mul3A_394 = arith.mulf %mul3A_393, %get3A_185 : vector<16xf32>
      %add3A_395 = arith.addf %add3A_390, %mul3A_394 : vector<16xf32>
      %gather3A_396 = tpu.vector_load_idx %arg11[%add3A_366, %broadcast_in_dim3A_302] : memref<512x32xf32, #tpu.memory_space<vmem>>[vector<16xi32>, vector<16xi32>], vector<16xf32>,
      %gather3A_397 = tpu.vector_load_idx %arg12[%add3A_366, %broadcast_in_dim3A_302] : memref<512x32xf32, #tpu.memory_space<vmem>>[vector<16xi32>, vector<16xi32>], vector<16xf32>,
      %mul3A_398 = arith.mulf %gather3A_396, %gather3A_397 : vector<16xf32>
      %mul3A_399 = arith.mulf %mul3A_398, %get3A_189 : vector<16xf32>
      %add3A_400 = arith.addf %add3A_395, %mul3A_399 : vector<16xf32>
      %gather3A_401 = tpu.vector_load_idx %arg11[%add3A_366, %broadcast_in_dim3A_304] : memref<512x32xf32, #tpu.memory_space<vmem>>[vector<16xi32>, vector<16xi32>], vector<16xf32>,
      %gather3A_402 = tpu.vector_load_idx %arg12[%add3A_366, %broadcast_in_dim3A_304] : memref<512x32xf32, #tpu.memory_space<vmem>>[vector<16xi32>, vector<16xi32>], vector<16xf32>,
      %mul3A_403 = arith.mulf %gather3A_401, %gather3A_402 : vector<16xf32>
      %mul3A_404 = arith.mulf %mul3A_403, %get3A_193 : vector<16xf32>
      %add3A_405 = arith.addf %add3A_400, %mul3A_404 : vector<16xf32>
      %gather3A_406 = tpu.vector_load_idx %arg11[%add3A_366, %broadcast_in_dim3A_306] : memref<512x32xf32, #tpu.memory_space<vmem>>[vector<16xi32>, vector<16xi32>], vector<16xf32>,
      %gather3A_407 = tpu.vector_load_idx %arg12[%add3A_366, %broadcast_in_dim3A_306] : memref<512x32xf32, #tpu.memory_space<vmem>>[vector<16xi32>, vector<16xi32>], vector<16xf32>,
      %mul3A_408 = arith.mulf %gather3A_406, %gather3A_407 : vector<16xf32>
      %mul3A_409 = arith.mulf %mul3A_408, %get3A_197 : vector<16xf32>
      %add3A_410 = arith.addf %add3A_405, %mul3A_409 : vector<16xf32>
      %gather3A_411 = tpu.vector_load_idx %arg11[%add3A_366, %broadcast_in_dim3A_308] : memref<512x32xf32, #tpu.memory_space<vmem>>[vector<16xi32>, vector<16xi32>], vector<16xf32>,
      %gather3A_412 = tpu.vector_load_idx %arg12[%add3A_366, %broadcast_in_dim3A_308] : memref<512x32xf32, #tpu.memory_space<vmem>>[vector<16xi32>, vector<16xi32>], vector<16xf32>,
      %mul3A_413 = arith.mulf %gather3A_411, %gather3A_412 : vector<16xf32>
      %mul3A_414 = arith.mulf %mul3A_413, %get3A_201 : vector<16xf32>
      %add3A_415 = arith.addf %add3A_410, %mul3A_414 : vector<16xf32>
      %gather3A_416 = tpu.vector_load_idx %arg11[%add3A_366, %broadcast_in_dim3A_310] : memref<512x32xf32, #tpu.memory_space<vmem>>[vector<16xi32>, vector<16xi32>], vector<16xf32>,
      %gather3A_417 = tpu.vector_load_idx %arg12[%add3A_366, %broadcast_in_dim3A_310] : memref<512x32xf32, #tpu.memory_space<vmem>>[vector<16xi32>, vector<16xi32>], vector<16xf32>,
      %mul3A_418 = arith.mulf %gather3A_416, %gather3A_417 : vector<16xf32>
      %mul3A_419 = arith.mulf %mul3A_418, %get3A_205 : vector<16xf32>
      %add3A_420 = arith.addf %add3A_415, %mul3A_419 : vector<16xf32>
      %gather3A_421 = tpu.vector_load_idx %arg11[%add3A_366, %broadcast_in_dim3A_312] : memref<512x32xf32, #tpu.memory_space<vmem>>[vector<16xi32>, vector<16xi32>], vector<16xf32>,
      %gather3A_422 = tpu.vector_load_idx %arg12[%add3A_366, %broadcast_in_dim3A_312] : memref<512x32xf32, #tpu.memory_space<vmem>>[vector<16xi32>, vector<16xi32>], vector<16xf32>,
      %mul3A_423 = arith.mulf %gather3A_421, %gather3A_422 : vector<16xf32>
      %mul3A_424 = arith.mulf %mul3A_423, %get3A_209 : vector<16xf32>
      %add3A_425 = arith.addf %add3A_420, %mul3A_424 : vector<16xf32>
      %gather3A_426 = tpu.vector_load_idx %arg11[%add3A_366, %broadcast_in_dim3A_314] : memref<512x32xf32, #tpu.memory_space<vmem>>[vector<16xi32>, vector<16xi32>], vector<16xf32>,
      %gather3A_427 = tpu.vector_load_idx %arg12[%add3A_366, %broadcast_in_dim3A_314] : memref<512x32xf32, #tpu.memory_space<vmem>>[vector<16xi32>, vector<16xi32>], vector<16xf32>,
      %mul3A_428 = arith.mulf %gather3A_426, %gather3A_427 : vector<16xf32>
      %mul3A_429 = arith.mulf %mul3A_428, %get3A_213 : vector<16xf32>
      %add3A_430 = arith.addf %add3A_425, %mul3A_429 : vector<16xf32>
      %gather3A_431 = tpu.vector_load_idx %arg11[%add3A_366, %broadcast_in_dim3A_316] : memref<512x32xf32, #tpu.memory_space<vmem>>[vector<16xi32>, vector<16xi32>], vector<16xf32>,
      %gather3A_432 = tpu.vector_load_idx %arg12[%add3A_366, %broadcast_in_dim3A_316] : memref<512x32xf32, #tpu.memory_space<vmem>>[vector<16xi32>, vector<16xi32>], vector<16xf32>,
      %mul3A_433 = arith.mulf %gather3A_431, %gather3A_432 : vector<16xf32>
      %mul3A_434 = arith.mulf %mul3A_433, %get3A_217 : vector<16xf32>
      %add3A_435 = arith.addf %add3A_430, %mul3A_434 : vector<16xf32>
      %gather3A_436 = tpu.vector_load_idx %arg11[%add3A_366, %broadcast_in_dim3A_318] : memref<512x32xf32, #tpu.memory_space<vmem>>[vector<16xi32>, vector<16xi32>], vector<16xf32>,
      %gather3A_437 = tpu.vector_load_idx %arg12[%add3A_366, %broadcast_in_dim3A_318] : memref<512x32xf32, #tpu.memory_space<vmem>>[vector<16xi32>, vector<16xi32>], vector<16xf32>,
      %mul3A_438 = arith.mulf %gather3A_436, %gather3A_437 : vector<16xf32>
      %mul3A_439 = arith.mulf %mul3A_438, %get3A_221 : vector<16xf32>
      %add3A_440 = arith.addf %add3A_435, %mul3A_439 : vector<16xf32>
      %gather3A_441 = tpu.vector_load_idx %arg11[%add3A_366, %broadcast_in_dim3A_320] : memref<512x32xf32, #tpu.memory_space<vmem>>[vector<16xi32>, vector<16xi32>], vector<16xf32>,
      %gather3A_442 = tpu.vector_load_idx %arg12[%add3A_366, %broadcast_in_dim3A_320] : memref<512x32xf32, #tpu.memory_space<vmem>>[vector<16xi32>, vector<16xi32>], vector<16xf32>,
      %mul3A_443 = arith.mulf %gather3A_441, %gather3A_442 : vector<16xf32>
      %mul3A_444 = arith.mulf %mul3A_443, %get3A_225 : vector<16xf32>
      %add3A_445 = arith.addf %add3A_440, %mul3A_444 : vector<16xf32>
      %gather3A_446 = tpu.vector_load_idx %arg11[%add3A_366, %broadcast_in_dim3A_322] : memref<512x32xf32, #tpu.memory_space<vmem>>[vector<16xi32>, vector<16xi32>], vector<16xf32>,
      %gather3A_447 = tpu.vector_load_idx %arg12[%add3A_366, %broadcast_in_dim3A_322] : memref<512x32xf32, #tpu.memory_space<vmem>>[vector<16xi32>, vector<16xi32>], vector<16xf32>,
      %mul3A_448 = arith.mulf %gather3A_446, %gather3A_447 : vector<16xf32>
      %mul3A_449 = arith.mulf %mul3A_448, %get3A_229 : vector<16xf32>
      %add3A_450 = arith.addf %add3A_445, %mul3A_449 : vector<16xf32>
      %gather3A_451 = tpu.vector_load_idx %arg11[%add3A_366, %broadcast_in_dim3A_324] : memref<512x32xf32, #tpu.memory_space<vmem>>[vector<16xi32>, vector<16xi32>], vector<16xf32>,
      %gather3A_452 = tpu.vector_load_idx %arg12[%add3A_366, %broadcast_in_dim3A_324] : memref<512x32xf32, #tpu.memory_space<vmem>>[vector<16xi32>, vector<16xi32>], vector<16xf32>,
      %mul3A_453 = arith.mulf %gather3A_451, %gather3A_452 : vector<16xf32>
      %mul3A_454 = arith.mulf %mul3A_453, %get3A_233 : vector<16xf32>
      %add3A_455 = arith.addf %add3A_450, %mul3A_454 : vector<16xf32>
      %gather3A_456 = tpu.vector_load_idx %arg11[%add3A_366, %broadcast_in_dim3A_326] : memref<512x32xf32, #tpu.memory_space<vmem>>[vector<16xi32>, vector<16xi32>], vector<16xf32>,
      %gather3A_457 = tpu.vector_load_idx %arg12[%add3A_366, %broadcast_in_dim3A_326] : memref<512x32xf32, #tpu.memory_space<vmem>>[vector<16xi32>, vector<16xi32>], vector<16xf32>,
      %mul3A_458 = arith.mulf %gather3A_456, %gather3A_457 : vector<16xf32>
      %mul3A_459 = arith.mulf %mul3A_458, %get3A_237 : vector<16xf32>
      %add3A_460 = arith.addf %add3A_455, %mul3A_459 : vector<16xf32>
      %gather3A_461 = tpu.vector_load_idx %arg11[%add3A_366, %broadcast_in_dim3A_328] : memref<512x32xf32, #tpu.memory_space<vmem>>[vector<16xi32>, vector<16xi32>], vector<16xf32>,
      %gather3A_462 = tpu.vector_load_idx %arg12[%add3A_366, %broadcast_in_dim3A_328] : memref<512x32xf32, #tpu.memory_space<vmem>>[vector<16xi32>, vector<16xi32>], vector<16xf32>,
      %mul3A_463 = arith.mulf %gather3A_461, %gather3A_462 : vector<16xf32>
      %mul3A_464 = arith.mulf %mul3A_463, %get3A_241 : vector<16xf32>
      %add3A_465 = arith.addf %add3A_460, %mul3A_464 : vector<16xf32>
      %gather3A_466 = tpu.vector_load_idx %arg11[%add3A_366, %broadcast_in_dim3A_330] : memref<512x32xf32, #tpu.memory_space<vmem>>[vector<16xi32>, vector<16xi32>], vector<16xf32>,
      %gather3A_467 = tpu.vector_load_idx %arg12[%add3A_366, %broadcast_in_dim3A_330] : memref<512x32xf32, #tpu.memory_space<vmem>>[vector<16xi32>, vector<16xi32>], vector<16xf32>,
      %mul3A_468 = arith.mulf %gather3A_466, %gather3A_467 : vector<16xf32>
      %mul3A_469 = arith.mulf %mul3A_468, %get3A_245 : vector<16xf32>
      %add3A_470 = arith.addf %add3A_465, %mul3A_469 : vector<16xf32>
      %gather3A_471 = tpu.vector_load_idx %arg11[%add3A_366, %broadcast_in_dim3A_332] : memref<512x32xf32, #tpu.memory_space<vmem>>[vector<16xi32>, vector<16xi32>], vector<16xf32>,
      %gather3A_472 = tpu.vector_load_idx %arg12[%add3A_366, %broadcast_in_dim3A_332] : memref<512x32xf32, #tpu.memory_space<vmem>>[vector<16xi32>, vector<16xi32>], vector<16xf32>,
      %mul3A_473 = arith.mulf %gather3A_471, %gather3A_472 : vector<16xf32>
      %mul3A_474 = arith.mulf %mul3A_473, %get3A_249 : vector<16xf32>
      %add3A_475 = arith.addf %add3A_470, %mul3A_474 : vector<16xf32>
      %gather3A_476 = tpu.vector_load_idx %arg11[%add3A_366, %broadcast_in_dim3A_334] : memref<512x32xf32, #tpu.memory_space<vmem>>[vector<16xi32>, vector<16xi32>], vector<16xf32>,
      %gather3A_477 = tpu.vector_load_idx %arg12[%add3A_366, %broadcast_in_dim3A_334] : memref<512x32xf32, #tpu.memory_space<vmem>>[vector<16xi32>, vector<16xi32>], vector<16xf32>,
      %mul3A_478 = arith.mulf %gather3A_476, %gather3A_477 : vector<16xf32>
      %mul3A_479 = arith.mulf %mul3A_478, %get3A_253 : vector<16xf32>
      %add3A_480 = arith.addf %add3A_475, %mul3A_479 : vector<16xf32>
      %gather3A_481 = tpu.vector_load_idx %arg11[%add3A_366, %broadcast_in_dim3A_336] : memref<512x32xf32, #tpu.memory_space<vmem>>[vector<16xi32>, vector<16xi32>], vector<16xf32>,
      %gather3A_482 = tpu.vector_load_idx %arg12[%add3A_366, %broadcast_in_dim3A_336] : memref<512x32xf32, #tpu.memory_space<vmem>>[vector<16xi32>, vector<16xi32>], vector<16xf32>,
      %mul3A_483 = arith.mulf %gather3A_481, %gather3A_482 : vector<16xf32>
      %mul3A_484 = arith.mulf %mul3A_483, %get3A_257 : vector<16xf32>
      %add3A_485 = arith.addf %add3A_480, %mul3A_484 : vector<16xf32>
      %gather3A_486 = tpu.vector_load_idx %arg11[%add3A_366, %broadcast_in_dim3A_338] : memref<512x32xf32, #tpu.memory_space<vmem>>[vector<16xi32>, vector<16xi32>], vector<16xf32>,
      %gather3A_487 = tpu.vector_load_idx %arg12[%add3A_366, %broadcast_in_dim3A_338] : memref<512x32xf32, #tpu.memory_space<vmem>>[vector<16xi32>, vector<16xi32>], vector<16xf32>,
      %mul3A_488 = arith.mulf %gather3A_486, %gather3A_487 : vector<16xf32>
      %mul3A_489 = arith.mulf %mul3A_488, %get3A_261 : vector<16xf32>
      %add3A_490 = arith.addf %add3A_485, %mul3A_489 : vector<16xf32>
      %gather3A_491 = tpu.vector_load_idx %arg11[%add3A_366, %broadcast_in_dim3A_340] : memref<512x32xf32, #tpu.memory_space<vmem>>[vector<16xi32>, vector<16xi32>], vector<16xf32>,
      %gather3A_492 = tpu.vector_load_idx %arg12[%add3A_366, %broadcast_in_dim3A_340] : memref<512x32xf32, #tpu.memory_space<vmem>>[vector<16xi32>, vector<16xi32>], vector<16xf32>,
      %mul3A_493 = arith.mulf %gather3A_491, %gather3A_492 : vector<16xf32>
      %mul3A_494 = arith.mulf %mul3A_493, %get3A_265 : vector<16xf32>
      %add3A_495 = arith.addf %add3A_490, %mul3A_494 : vector<16xf32>
      %gather3A_496 = tpu.vector_load_idx %arg11[%add3A_366, %broadcast_in_dim3A_342] : memref<512x32xf32, #tpu.memory_space<vmem>>[vector<16xi32>, vector<16xi32>], vector<16xf32>,
      %gather3A_497 = tpu.vector_load_idx %arg12[%add3A_366, %broadcast_in_dim3A_342] : memref<512x32xf32, #tpu.memory_space<vmem>>[vector<16xi32>, vector<16xi32>], vector<16xf32>,
      %mul3A_498 = arith.mulf %gather3A_496, %gather3A_497 : vector<16xf32>
      %mul3A_499 = arith.mulf %mul3A_498, %get3A_269 : vector<16xf32>
      %add3A_500 = arith.addf %add3A_495, %mul3A_499 : vector<16xf32>
      %gather3A_501 = tpu.vector_load_idx %arg11[%add3A_366, %broadcast_in_dim3A_344] : memref<512x32xf32, #tpu.memory_space<vmem>>[vector<16xi32>, vector<16xi32>], vector<16xf32>,
      %gather3A_502 = tpu.vector_load_idx %arg12[%add3A_366, %broadcast_in_dim3A_344] : memref<512x32xf32, #tpu.memory_space<vmem>>[vector<16xi32>, vector<16xi32>], vector<16xf32>,
      %mul3A_503 = arith.mulf %gather3A_501, %gather3A_502 : vector<16xf32>
      %mul3A_504 = arith.mulf %mul3A_503, %get3A_273 : vector<16xf32>
      %add3A_505 = arith.addf %add3A_500, %mul3A_504 : vector<16xf32>
      %gather3A_506 = tpu.vector_load_idx %arg11[%add3A_366, %broadcast_in_dim3A_346] : memref<512x32xf32, #tpu.memory_space<vmem>>[vector<16xi32>, vector<16xi32>], vector<16xf32>,
      %gather3A_507 = tpu.vector_load_idx %arg12[%add3A_366, %broadcast_in_dim3A_346] : memref<512x32xf32, #tpu.memory_space<vmem>>[vector<16xi32>, vector<16xi32>], vector<16xf32>,
      %mul3A_508 = arith.mulf %gather3A_506, %gather3A_507 : vector<16xf32>
      %mul3A_509 = arith.mulf %mul3A_508, %get3A_277 : vector<16xf32>
      %add3A_510 = arith.addf %add3A_505, %mul3A_509 : vector<16xf32>
      %gather3A_511 = tpu.vector_load_idx %arg11[%add3A_366, %broadcast_in_dim3A_348] : memref<512x32xf32, #tpu.memory_space<vmem>>[vector<16xi32>, vector<16xi32>], vector<16xf32>,
      %gather3A_512 = tpu.vector_load_idx %arg12[%add3A_366, %broadcast_in_dim3A_348] : memref<512x32xf32, #tpu.memory_space<vmem>>[vector<16xi32>, vector<16xi32>], vector<16xf32>,
      %mul3A_513 = arith.mulf %gather3A_511, %gather3A_512 : vector<16xf32>
      %mul3A_514 = arith.mulf %mul3A_513, %get3A_281 : vector<16xf32>
      %add3A_515 = arith.addf %add3A_510, %mul3A_514 : vector<16xf32>
      %gather3A_516 = tpu.vector_load_idx %arg11[%add3A_366, %broadcast_in_dim3A_350] : memref<512x32xf32, #tpu.memory_space<vmem>>[vector<16xi32>, vector<16xi32>], vector<16xf32>,
      %gather3A_517 = tpu.vector_load_idx %arg12[%add3A_366, %broadcast_in_dim3A_350] : memref<512x32xf32, #tpu.memory_space<vmem>>[vector<16xi32>, vector<16xi32>], vector<16xf32>,
      %mul3A_518 = arith.mulf %gather3A_516, %gather3A_517 : vector<16xf32>
      %mul3A_519 = arith.mulf %mul3A_518, %get3A_285 : vector<16xf32>
      %add3A_520 = arith.addf %add3A_515, %mul3A_519 : vector<16xf32>
      %gather3A_521 = tpu.vector_load_idx %arg11[%add3A_366, %broadcast_in_dim3A_352] : memref<512x32xf32, #tpu.memory_space<vmem>>[vector<16xi32>, vector<16xi32>], vector<16xf32>,
      %gather3A_522 = tpu.vector_load_idx %arg12[%add3A_366, %broadcast_in_dim3A_352] : memref<512x32xf32, #tpu.memory_space<vmem>>[vector<16xi32>, vector<16xi32>], vector<16xf32>,
      %mul3A_523 = arith.mulf %gather3A_521, %gather3A_522 : vector<16xf32>
      %mul3A_524 = arith.mulf %mul3A_523, %get3A_289 : vector<16xf32>
      %add3A_525 = arith.addf %add3A_520, %mul3A_524 : vector<16xf32>
      %neg3A = arith.constant 0.000000e+00 : f32
      %neg3A_526 = vector.broadcast %neg3A : f32 to vector<16xf32>
      %neg3A_527 = arith.subf %neg3A_526, %add3A_525 : vector<16xf32>
      %exp3A = math.exp %neg3A_527 : vector<16xf32>
      %add3A_528 = arith.constant 1.000000e+00 : f32
      %add3A_529 = vector.broadcast %add3A_528 : f32 to vector<16xf32>
      %add3A_530 = arith.addf %add3A_529, %exp3A : vector<16xf32>
      %div3A = arith.constant 1.000000e+00 : f32
      %div3A_531 = vector.broadcast %div3A : f32 to vector<16xf32>
      %div3A_532 = arith.divf %div3A_531, %add3A_530 : vector<16xf32>
      %swap3A = arith.index_cast %multiple_of3A : i32 to index
      %swap3A_533 = tpu.vector_load %arg13[%swap3A] {strides = array<i32>} : memref<512xf32, #tpu.memory_space<vmem>>, vector<16xf32>,
      tpu.vector_store %arg13[%swap3A], %div3A_532 {strides = array<i32>} : memref<512xf32, #tpu.memory_space<vmem>>, vector<16xf32>,
    }
    %scan3A_359 = arith.constant 32 : i32
    %mul3A_360 = arith.constant 512 : i32
    %mul3A_361 = arith.muli %add3A, %mul3A_360 : i32
    "tpu.region"() ({
      %run_scoped3A = tpu.sem_alloc : memref<!tpu.dma_semaphore, #tpu.memory_space<semaphore_mem>>
      %dma_start3A_362 = tpu.memref_slice %arg8[%mul3A_361] : memref<16384xf32, #tpu.memory_space<hbm>> -> memref<512xf32, #tpu.memory_space<hbm>>
      %dma_start3A_363 = tpu.memref_slice %arg8[%mul3A_361] : memref<16384xf32, #tpu.memory_space<hbm>> -> memref<512xf32, #tpu.memory_space<hbm>>
      tpu.enqueue_dma source(%arg13 : memref<512xf32, #tpu.memory_space<vmem>>) target(%dma_start3A_363 : memref<512xf32, #tpu.memory_space<hbm>>) target_semaphore(%run_scoped3A : memref<!tpu.dma_semaphore, #tpu.memory_space<semaphore_mem>>)
      %dma_wait3A_364 = tpu.memref_slice %arg8[%mul3A_361] : memref<16384xf32, #tpu.memory_space<hbm>> -> memref<512xf32, #tpu.memory_space<hbm>>
      %dma_wait3A_365 = tpu.memref_slice %arg8[%mul3A_361] : memref<16384xf32, #tpu.memory_space<hbm>> -> memref<512xf32, #tpu.memory_space<hbm>>
      tpu.wait_dma2 semaphore(%run_scoped3A : memref<!tpu.dma_semaphore, #tpu.memory_space<semaphore_mem>>) src(%arg13 : memref<512xf32, #tpu.memory_space<vmem>>) dst(%dma_wait3A_365 : memref<512xf32, #tpu.memory_space<hbm>>)
      tpu.yield
    }) : () -> ()
    return
  }
}

</mosaic_0001>

<sc_bundles>
// kernel: kernel.3.cloned.1.call-start
scs
__scs_entry_jumppad:
0x0: {  	(pc) =	sbr.rel $0x88, $3  }
0x1: {  	(tag) =	ssettag $0x0;
	lr =	simm.s32 $0x1  }
0x2: {  	[smem:$0x3F9B] =	sst lr;
	_ =	strace $0xD0000000  }
0x3: {  	_ = 	snop  }
0x4: {  	_ = 	snop  }
0x5: {  	_ = 	snop  }
0x6: {  	_ = 	snop  }
0x7: {  	_ = 	snop  }
__scs_overlays_trampoline_lowered:
0x8: {  	[smem:$0x3FAA] =	sst s0  }
0x9: {  	[smem:$0x3FAB] =	sst s1  }
0xa: {  	[smem:$0x3FAC] =	sst s2  }
0xb: {  	[smem:$0x3FAD] =	sst s3  }
0xc: {  	[smem:$0x3FAE] =	sst s4  }
0xd: {  	[smem:$0x3FAF] =	sst s5  }
0xe: {  	[smem:$0x3FB0] =	sst s6  }
0xf: {  	[smem:$0x3FB1] =	sst s7  }
0x10: {  	[smem:$0x3FB2] =	sst s8  }
0x11: {  	[smem:$0x3FB3] =	sst s9;
	s0 =	simm.s32 @!p0 $0x0  }
0x12: {  	s1 =	sld [smem:$0x3F99];
	s0 =	simm.s32 @p0 $0x1  }
0x13: {  	[smem:$0x3FB4] =	sst s0;
	s0 =	simm.s32 @!p1 $0x0  }
0x14: {  	s2 =	sld [smem:$0x3F98];
	s0 =	simm.s32 @p1 $0x1  }
0x15: {  	[smem:$0x3FB5] =	sst s0;
	s0 =	simm.s32 @!p2 $0x0  }
0x16: {  	s3 =	sld [smem:$0x3FDB];
	s0 =	simm.s32 @p2 $0x1  }
0x17: {  	s4 =	simm.s32 $0x1BF5;
	[smem:$0x3FB7] =	sst s0  }
0x18: {  	s0 =	sld [smem:$0x3F9A];
	_ =	swait.ge [sflag:s4], $0x0  }
0x19: {  	s7 =	sld [smem:$0x3F9B]  }
0x1a: {  	s8 =	sadd.s32 $0xFFFFE003, lr  }
0x1b: {  	s9 =	sadd.s32 $0xFFFFFEF7, lr;
	s5 =	simm.s32 $0xFFFFFFFF;
	p2 =	slt.u32 s8, $0xFFFFF086  }
0x1c: {  	p1 =	slt.u32 s9, $0xF7A;
	s5 =	simm.s32 @!p2 $0x0  }
0x1d: {  	s5 =	simm.s32 @p1 $0x1;
	p0 =	seq.s32 s7, s2  }
0x1e: {  	s7 =	smul.u32 @!p0 $0xF7A, s2;
	p2 =	seq.s32 @!p0 s5, $0x0  }
0x1f: {  	s9 =	smul.u32 $0xF7A, s1;
	s8 =	simm.s32 @!p0 $0x1BF5;
	p2 =	por !p2, p0  }
0x20: {  	[sflag:s8] =	ssyncset.s32 @!p0 $0xFFFFF086;
	s6 =	sadd.s32 @!p0 s3, s7;
	s7 =	simm.s32 @!p0 $0x108  }
0x21: {  	s3 =	sadd.s32 s3, s9;
	s6 =	sadd.s32 @!p0 $0x88, s6;
	s7 =	simm.s32 @p2 $0x1082  }
0x22: {  	[simem:s7], [sflag:s8] =	dma.local @!p0 [hbm:s6], $0xF7A  }
0x23: {  	s9 =	sor.u32 $0xD0000000, s2;
	s6 =	simm.s32 $0x108;
	_ =	swait.ge @!p0 [sflag:s8], $0x0  }
0x24: {  	s3 =	sadd.s32 $0x88, s3;
	s6 =	simm.s32 @!p1 $0x1082;
	[sflag:s4] =	ssyncset.s32 $0xFFFFF086  }
0x25: {  	[simem:s6], [sflag:s4] =	dma.local [hbm:s3], $0xF7A  }
0x26: {  	[smem:$0x3F9B] =	sst s1;
	(tag) =	ssettag s2;
	_ =	strace s9  }
0x27: {  	s1 =	sld [smem:$0x3FAB]  }
0x28: {  	s2 =	sld [smem:$0x3FAC]  }
0x29: {  	s4 =	sld [smem:$0x3FAE]  }
0x2a: {  	p0 =	seq.s32 s5, $0x0;
	s5 =	sld [smem:$0x3FAF]  }
0x2b: {  	s6 =	sld [smem:$0x3FB0]  }
0x2c: {  	s7 =	sld [smem:$0x3FB1]  }
0x2d: {  	s3 =	simm.s32 $0x108;
	s8 =	sld [smem:$0x3FB2]  }
0x2e: {  	s3 =	simm.s32 @!p0 $0x1082;
	s9 =	sld [smem:$0x3FB3]  }
0x2f: {  	lr =	sadd.s32 s0, s3;
	s0 =	sld [smem:$0x3FAA]  }
0x30: {  	s3 =	sld [smem:$0x3FAD]  }
0x31: {  	[smem:$0x3FB6] =	sst s10  }
0x32: {  	s10 =	sld [smem:$0x3FB4];
	_ =	sdelay $0x3  }
0x33: {  	p0 =	seq.s32 s10, $0x1;
	s10 =	sld [smem:$0x3FB6];
	_ =	sdelay $0x3  }
0x34: {  	[smem:$0x3FB6] =	sst s10  }
0x35: {  	s10 =	sld [smem:$0x3FB5];
	_ =	sdelay $0x3  }
0x36: {  	p1 =	seq.s32 s10, $0x1;
	s10 =	sld [smem:$0x3FB6];
	_ =	sdelay $0x3  }
0x37: {  	[smem:$0x3FB6] =	sst s10  }
0x38: {  	s10 =	sld [smem:$0x3FB7]  }
0x39: {  	_ = 	snop;
	(pc) =	sbr.ind lr, $3  }
0x3a: {  	_ = 	snop  }
0x3b: {  	_ = 	snop  }
0x3c: {  	p2 =	seq.s32 s10, $0x1;
	s10 =	sld [smem:$0x3FB6]  }
0x3d: {  	_ =	shalt  }
0x3e: {  	_ =	shalt  }
0x3f: {  	_ =	shalt  }
0x40: {  	_ =	shalt  }
0x41: {  	_ =	shalt  }
0x42: {  	_ =	shalt  }
0x43: {  	_ =	shalt  }
0x44: {  	_ =	shalt  }
0x45: {  	_ =	shalt  }
0x46: {  	_ =	shalt  }
0x47: {  	_ =	shalt  }
0x48: {  	_ =	shalt  }
0x49: {  	_ =	shalt  }
0x4a: {  	_ =	shalt  }
0x4b: {  	_ =	shalt  }
0x4c: {  	_ =	shalt  }
0x4d: {  	_ =	shalt  }
0x4e: {  	_ =	shalt  }
0x4f: {  	_ =	shalt  }
0x50: {  	_ =	shalt  }
0x51: {  	_ =	shalt  }
0x52: {  	_ =	shalt  }
0x53: {  	_ =	shalt  }
0x54: {  	_ =	shalt  }
0x55: {  	_ =	shalt  }
0x56: {  	_ =	shalt  }
0x57: {  	_ =	shalt  }
0x58: {  	_ =	shalt  }
0x59: {  	_ =	shalt  }
0x5a: {  	_ =	shalt  }
0x5b: {  	_ =	shalt  }
0x5c: {  	_ =	shalt  }
0x5d: {  	_ =	shalt  }
0x5e: {  	_ =	shalt  }
0x5f: {  	_ =	shalt  }
0x60: {  	_ =	shalt  }
0x61: {  	_ =	shalt  }
0x62: {  	_ =	shalt  }
0x63: {  	_ =	shalt  }
0x64: {  	_ =	shalt  }
0x65: {  	_ =	shalt  }
0x66: {  	_ =	shalt  }
0x67: {  	_ =	shalt  }
0x68: {  	_ =	shalt  }
0x69: {  	_ =	shalt  }
0x6a: {  	_ =	shalt  }
0x6b: {  	_ =	shalt  }
0x6c: {  	_ =	shalt  }
0x6d: {  	_ =	shalt  }
0x6e: {  	_ =	shalt  }
0x6f: {  	_ =	shalt  }
0x70: {  	_ =	shalt  }
0x71: {  	_ =	shalt  }
0x72: {  	_ =	shalt  }
0x73: {  	_ =	shalt  }
0x74: {  	_ =	shalt  }
0x75: {  	_ =	shalt  }
0x76: {  	_ =	shalt  }
0x77: {  	_ =	shalt  }
0x78: {  	_ =	shalt  }
0x79: {  	_ =	shalt  }
0x7a: {  	_ =	shalt  }
0x7b: {  	_ =	shalt  }
0x7c: {  	_ =	shalt  }
0x7d: {  	_ =	shalt  }
0x7e: {  	_ =	shalt  }
0x7f: {  	_ =	shalt  }
0x80: {  	_ =	shalt  }
0x81: {  	_ =	shalt  }
0x82: {  	_ =	shalt  }
0x83: {  	_ =	shalt  }
0x84: {  	_ =	shalt  }
0x85: {  	_ =	shalt  }
0x86: {  	_ =	shalt  }
0x87: {  	_ =	shalt  }
.Lfunc_end0:
.L_simem_size_0:
called_computation_lowered:
.L_overlay_start_0:
0x88: {  	s2 =	sld [smem:$0x3FD9]  }
0x89: {  	s3 =	sld [smem:$0x3FFE];
	_ =	sdelay $0x1  }
0x8a: {  	s1 =	srdreg.scid  }
0x8b: {  	s0 =	sand.u32 $0x1, s1  }
0x8c: {  	s17 =	sshll.u32 s0, $0xA;
	s2 =	sadd.s32 s3, s2  }
0x8d: {  	s2 =	sadd.s32 s2, s17  }
0x8e: {  	[smem:$0x3FC2] =	sst s2  }
0x8f: {  	_ = 	snop  }
0x90: {  	s2 =	sld [smem:$0x3FC9]  }
0x91: {  	s18 =	sld [smem:$0x3FC8]  }
0x92: {  	s4 =	sld [smem:$0x3FD0];
	(tm) =	ssettm $0x1  }
0x93: {  	s5 =	sld [smem:$0x3FFB];
	_ =	sdelay $0x3  }
0x94: {  	_ =	strace s5  }
0x95: {  	s5 =	sld [smem:$0x3FFC];
	_ =	sdelay $0x3  }
0x96: {  	_ =	strace s5  }
0x97: {  	s5 =	sld [smem:$0x3FFD];
	_ =	sdelay $0x3  }
0x98: {  	_ =	strace s5  }
0x99: {  	_ =	strace $0x8FFFFFFF  }
0x9a: {  	s19 =	sld [smem:$0x3FDB];
	_ =	sdelay $0x1  }
0x9b: {  	s6 =	simm.s32 $_scs_section_size  }
0x9c: {  	s7 =	simm.s32 $_size__tile_overlayer_lowered;
	s8 =	simm.s32 $_tile_overlayer_lowered  }
0x9d: {  	s22 =	simm.s32 $0x1BFF;
	s21 =	sshll.u32 s8, $0x1;
	s5 =	sadd.s32 s6, s19  }
0x9e: {  	s9 =	simm.s32 $0x0;
	s20 =	sshll.u32 s7, $0x1;
	s7 =	sadd.s32 s21, s5  }
0x9f: {  	[timem:s9], [sflag:s22] =	dma.local [hbm:s7], s20  }
0xa0: {  	_ =	swait.ge [sflag:s22], s20  }
0xa1: {  	s6 =	ssub.s32 $0x0, s20;
	[sflag:s22] =	ssyncset.done $0x0  }
0xa2: {  	[sflag:s22] =	ssyncadd.s32 s6;
	_ =	sdelay $0x1  }
0xa3: {  	s23 =	simm.s32 $0x1B8B  }
0xa4: {  	_ =	swait.ge [sflag:s23], $0x1  }
0xa5: {  	[sflag:s23] =	ssyncset.done $0x0  }
0xa6: {  	s25 =	simm.s32 $0x1B8E;
	s24 =	sld [smem:$0x3FFE];
	[sflag:s23] =	ssyncadd.s32 $0xFFFFFFFF  }
0xa7: {  	s26 =	simm.s32 $execute0_lowered;
	[smem:$0x3FD2] =	sst s25  }
0xa8: {  	s7 =	sshll.u32 s26, $0x1;
	_ =	strace $0x80000046;
	[dreg:$0x1] =	wrdreg $0xFFFFFFFF  }
0xa9: {  	s28 =	simm.s32 $_size_execute0_lowered;
	s5 =	sadd.s32 s5, s7;
	[dreg:$0x0] =	wrdreg $0x0  }
0xaa: {  	s7 =	sshll.u32 s28, $0x1;
	[dreg:$0x2] =	wrdreg s5  }
0xab: {  	[dreg:$0x3] =	wrdreg s7  }
0xac: {  	[dreg:$0x4] =	wrdreg $0xC0  }
0xad: {  	_ =	task [dreg:s9], $0x5FFFF  }
0xae: {  	[dreg:$0x1] =	wrdreg $0xFFFFFFFF  }
0xaf: {  	[dreg:$0x0] =	wrdreg $0x60  }
0xb0: {  	[dreg:$0x2] =	wrdreg s2  }
0xb1: {  	[dreg:$0x3] =	wrdreg s18  }
0xb2: {  	[dreg:$0x4] =	wrdreg s24  }
0xb3: {  	[dreg:$0x5] =	wrdreg s4  }
0xb4: {  	[dreg:$0x6] =	wrdreg $0x9  }
0xb5: {  	_ =	task.clear_ibuf [dreg:s9], $0x7FFFF;
	_ =	strace $0x90000046  }
0xb6: {  	s29 =	simm.s32 $0x9;
	_ =	strace $0x80000048  }
0xb7: {  	_ =	swait.ge [sflag:s29], $0x1  }
0xb8: {  	[sflag:s29] =	ssyncadd.s32 $0xFFFFFFFF  }
0xb9: {  	_ =	strace $0x90000048  }
0xba: {  	_ =	sfence  }
0xbb: {  	s30 =	sld [smem:$0x0];
	_ =	sdelay $0x2  }
0xbc: {  	s31 =	sshll.u32 s1, $0xD;
	s1 =	sshrl.u32 s1, $0x2  }
0xbd: {  	s3 =	sand.u32 $0x4000, s31;
	s1 =	sadd.s32 s1, s30  }
0xbe: {  	s0 =	sor.u32 s3, s0;
	s1 =	sshll.u32 s1, $0x11  }
0xbf: {  	s0 =	sor.u32 s1, s0  }
0xc0: {  	s0 =	sadd.s32 $0x8F2B, s0  }
0xc1: {  	[sflag:s0] =	ssyncadd.remote.s32 $0x1  }
0xc2: {  	_ =	sfence.sel $0xFFFF  }
0xc3: {  	[dreg:$0x0] =	wrdreg $0xFFFFFFFF;
	(pc) =	sbr.abs _section_cstart, $3  }
0xc4: {  	[dreg:$0x1] =	wrdreg $0xFFFFFFFF  }
0xc5: {  	_ =	task.clear_ibuf [dreg:s9], $0x2FFFF;
	_ =	strace $0x9FFFFFFF  }
0xc6: {  	(tm) =	ssettm $0x7FFFFFFF  }
0xc7: {  	_ =	shalt  }
tec
execute0_lowered:
.L_overlay_start_1:
0x0: {  	(tag) =	ssettag $0x1  }
0x1: {  	s0 =	rddreg [dreg:$0x0]  }
0x2: {  	s2 =	rddreg [dreg:$0x1]  }
0x3: {  	s6 =	rddreg [dreg:$0x2]  }
0x4: {  	s9 =	rddreg [dreg:$0x3];
	s1 =	simm.s32 $0x0  }
0x5: {  	s5 =	srdreg.scid;
	s8 =	stileid.u32;
	s12 =	simm.s32 $0x200  }
0x6: {  	s14 =	simm.s32 $0x8800;
	s15 =	simm.s32 $0x80;
	s16 =	simm.s32 $0x400  }
0x7: {  	s17 =	simm.s32 $0x4400;
	s18 =	simm.s32 $0x1400;
	s19 =	simm.s32 $0x280  }
0x8: {  	s20 =	simm.s32 $0x5400;
	s21 =	simm.s32 $0x100;
	s22 =	simm.s32 $0x2400  }
0x9: {  	s23 =	simm.s32 $0x300;
	s24 =	simm.s32 $0x6400;
	s25 =	simm.s32 $0x180  }
0xa: {  	s26 =	simm.s32 $0x3400;
	s28 =	simm.s32 $0x380;
	s29 =	simm.s32 $0x7400  }
0xb: {  	s30 =	simm.s32 $0x1;
	s31 =	simm.s32 $0x8400;
	[smem:$0x7FF] =	sst s1  }
0xc: {  	s3 =	sadd.s32 $0x1313400, s6;
	s4 =	sadd.s32 $0xF42A00, s6;
	s5 =	sand.u32 $0x1, s5  }
0xd: {  	s8 =	sshll.u32 s8, $0x7;
	_ =	strace $0x80000047;
	s7 =	ssub.s32 $0x2, s5  }
0xe: {  	s10 =	sshll.u32 s5, $0x6;
	s5 =	sadd.s32 $0x600, s6;
	s11 =	sshrl.u32 s7, $0x1  }
0xf: {  	v0 =	vlaneseq.u32;
	s6 =	sadd.s32 $0x800, s6;
	s10 =	sor.u32 s10, s8;
	s11 =	ssub.s32 s7, s11  }
0x10: {  	v0 =	vmul.u32 $0x20, v0;
	s7 =	sadd.s32 s0, s10;
	s8 =	sadd.s32 s2, s10;
	s9 =	sadd.s32 s9, s10  }
0x11: {  	s0 =	simm.s32 $0x0;
	s10 =	smax.u32 s11, $0x1;
	s11 =	simm.s32 $0x2  }
.LBB2_1:
0x12: {  	[tilespmem:s1], [sflag:$0x2] =	stream.linear.gather [hbm4b:s7+s1], $0x200, $0x38;
	[tilespmem:$0x8810] =	vst v63  }
0x13: {  	_ =	swait.ge [sflag:s11], $0x200  }
0x14: {  	[sflag:s11] =	ssyncset.done $0x0  }
0x15: {  	[sflag:s11] =	ssyncadd.s32 $0xFFFFFE00  }
0x16: {  	[tilespmem:s12], [sflag:$0x2] =	stream.linear.gather [hbm4b:s8+s1], $0x200, $0x38;
	[tilespmem:$0x8810] =	vst v63  }
0x17: {  	_ =	swait.ge [sflag:s11], $0x200  }
0x18: {  	[sflag:s11] =	ssyncset.done $0x0  }
0x19: {  	s2 =	simm.s32 $0x8600;
	[sflag:s11] =	ssyncadd.s32 $0xFFFFFE00  }
0x1a: {  	[tilespmem:s2], [sflag:$0x2] =	stream.linear.gather [hbm4b:s5+s1], $0x200, $0x38;
	[tilespmem:$0x8810] =	vst v63  }
0x1b: {  	_ =	swait.ge [sflag:s11], $0x200  }
0x1c: {  	[sflag:s11] =	ssyncset.done $0x0  }
0x1d: {  	[sflag:s11] =	ssyncadd.s32 $0xFFFFFE00  }
0x1e: {  	[tilespmem:s14], [sflag:$0x2] =	stream.linear.gather [hbm4b:s6+s1], $0x10, $0x38;
	[tilespmem:$0x8810] =	vst v63  }
0x1f: {  	_ =	swait.ge [sflag:s11], $0x10  }
0x20: {  	[sflag:s11] =	ssyncset.done $0x0  }
0x21: {  	[sflag:s11] =	ssyncadd.s32 $0xFFFFFFF0  }
0x22: {  	[tilespmem:s16], [sflag:$0x1] =	stream.indirect.gather [hbm4b:s3+s15], $0x20, s1, s15, $0xb8;
	[tilespmem:$0x8810] =	vst v63  }
0x23: {  	_ = 	snop  }
0x24: {  	[tilespmem:s17], [sflag:$0x1] =	stream.indirect.gather [hbm4b:s4+s15], $0x20, s12, s15, $0xb8;
	[tilespmem:$0x8810] =	vst v63  }
0x25: {  	_ = 	snop  }
0x26: {  	[tilespmem:s18], [sflag:$0x1] =	stream.indirect.gather [hbm4b:s3+s15], $0x20, s15, s15, $0xb8;
	[tilespmem:$0x8810] =	vst v63  }
0x27: {  	_ = 	snop  }
0x28: {  	[tilespmem:s20], [sflag:$0x1] =	stream.indirect.gather [hbm4b:s4+s15], $0x20, s19, s15, $0xb8;
	[tilespmem:$0x8810] =	vst v63  }
0x29: {  	_ = 	snop  }
0x2a: {  	[tilespmem:s22], [sflag:$0x1] =	stream.indirect.gather [hbm4b:s3+s15], $0x20, s21, s15, $0xb8;
	[tilespmem:$0x8810] =	vst v63  }
0x2b: {  	_ = 	snop  }
0x2c: {  	[tilespmem:s24], [sflag:$0x1] =	stream.indirect.gather [hbm4b:s4+s15], $0x20, s23, s15, $0xb8;
	[tilespmem:$0x8810] =	vst v63  }
0x2d: {  	_ = 	snop  }
0x2e: {  	[tilespmem:s26], [sflag:$0x1] =	stream.indirect.gather [hbm4b:s3+s15], $0x20, s25, s15, $0xb8;
	[tilespmem:$0x8810] =	vst v63  }
0x2f: {  	_ = 	snop  }
0x30: {  	[tilespmem:s29], [sflag:$0x1] =	stream.indirect.gather [hbm4b:s4+s15], $0x20, s28, s15, $0xb8;
	[tilespmem:$0x8810] =	vst v63  }
0x31: {  	_ =	swait.ge [sflag:s30], $0x1000  }
0x32: {  	[sflag:s30] =	ssyncset.done $0x0  }
0x33: {  	[sflag:s30] =	ssyncadd.s32 $0xFFFFF000  }
0x34: {  	_ =	swait.ge [sflag:s30], $0x1000  }
0x35: {  	[sflag:s30] =	ssyncset.done $0x0  }
0x36: {  	[sflag:s30] =	ssyncadd.s32 $0xFFFFF000  }
0x37: {  	_ =	swait.ge [sflag:s30], $0x1000  }
0x38: {  	[sflag:s30] =	ssyncset.done $0x0  }
0x39: {  	[sflag:s30] =	ssyncadd.s32 $0xFFFFF000  }
0x3a: {  	_ =	swait.ge [sflag:s30], $0x1000  }
0x3b: {  	[sflag:s30] =	ssyncset.done $0x0  }
0x3c: {  	[sflag:s30] =	ssyncadd.s32 $0xFFFFF000  }
0x3d: {  	_ =	swait.ge [sflag:s30], $0x1000  }
0x3e: {  	[sflag:s30] =	ssyncset.done $0x0  }
0x3f: {  	[sflag:s30] =	ssyncadd.s32 $0xFFFFF000  }
0x40: {  	_ =	swait.ge [sflag:s30], $0x1000  }
0x41: {  	[sflag:s30] =	ssyncset.done $0x0  }
0x42: {  	[sflag:s30] =	ssyncadd.s32 $0xFFFFF000  }
0x43: {  	_ =	swait.ge [sflag:s30], $0x1000  }
0x44: {  	[sflag:s30] =	ssyncset.done $0x0  }
0x45: {  	[sflag:s30] =	ssyncadd.s32 $0xFFFFF000  }
0x46: {  	_ =	swait.ge [sflag:s30], $0x1000  }
0x47: {  	[sflag:s30] =	ssyncset.done $0x0  }
0x48: {  	[sflag:s30] =	ssyncadd.s32 $0xFFFFF000  }
0x49: {  	v31 =	vld [tilespmem:$0x8600]  }
0x4a: {  	v30 =	vld [tilespmem:$0x8610]  }
0x4b: {  	v29 =	vld [tilespmem:$0x8620]  }
0x4c: {  	v28 =	vld [tilespmem:$0x8630]  }
0x4d: {  	v27 =	vld [tilespmem:$0x8640]  }
0x4e: {  	v26 =	vld [tilespmem:$0x8650]  }
0x4f: {  	v25 =	vld [tilespmem:$0x8660]  }
0x50: {  	v24 =	vld [tilespmem:$0x8670]  }
0x51: {  	v23 =	vld [tilespmem:$0x8680]  }
0x52: {  	v22 =	vld [tilespmem:$0x8690]  }
0x53: {  	v21 =	vld [tilespmem:$0x86A0]  }
0x54: {  	v20 =	vld [tilespmem:$0x86B0]  }
0x55: {  	v19 =	vld [tilespmem:$0x86C0]  }
0x56: {  	v18 =	vld [tilespmem:$0x86D0]  }
0x57: {  	v17 =	vld [tilespmem:$0x86E0]  }
0x58: {  	v16 =	vld [tilespmem:$0x86F0]  }
0x59: {  	v15 =	vld [tilespmem:$0x8700]  }
0x5a: {  	v14 =	vld [tilespmem:$0x8710]  }
0x5b: {  	v13 =	vld [tilespmem:$0x8720]  }
0x5c: {  	v12 =	vld [tilespmem:$0x8730]  }
0x5d: {  	v11 =	vld [tilespmem:$0x8740]  }
0x5e: {  	v10 =	vld [tilespmem:$0x8750]  }
0x5f: {  	v9 =	vld [tilespmem:$0x8760]  }
0x60: {  	v8 =	vld [tilespmem:$0x8770]  }
0x61: {  	v7 =	vld [tilespmem:$0x8780]  }
0x62: {  	v1 =	vmov s1;
	v6 =	vld [tilespmem:$0x8790]  }
0x63: {  	v1 =	vshll.u32 v1, $0x5;
	v5 =	vld [tilespmem:$0x87A0]  }
0x64: {  	v33 =	vor.u32 v0, v1;
	v4 =	vld [tilespmem:$0x87B0]  }
0x65: {  	v3 =	vld [tilespmem:$0x87C0]  }
0x66: {  	v34 =	vor.u32 $0x1, v33;
	v2 =	vld [tilespmem:$0x87D0]  }
0x67: {  	v1 =	vld [tilespmem:$0x87E0]  }
0x68: {  	v35 =	vor.u32 $0x2, v33;
	v32 =	vld [tilespmem:$0x8800]  }
0x69: {  	v36 =	vld.idx.msk [tilespmem:v33+s17+$0x0], $0xffff  }
0x6a: {  	v38 =	vor.u32 $0x3, v33;
	v37 =	vld.idx.msk [tilespmem:v33+s16+$0x0], $0xffff  }
0x6b: {  	v39 =	vld.idx.msk [tilespmem:v34+s16+$0x0], $0xffff  }
0x6c: {  	v40 =	vor.u32 $0x4, v33;
	v34 =	vld.idx.msk [tilespmem:v34+s17+$0x0], $0xffff  }
0x6d: {  	v41 =	vld.idx.msk [tilespmem:v35+s16+$0x0], $0xffff  }
0x6e: {  	v42 =	vor.u32 $0x5, v33;
	v35 =	vld.idx.msk [tilespmem:v35+s17+$0x0], $0xffff  }
0x6f: {  	v43 =	vld.idx.msk [tilespmem:v38+s16+$0x0], $0xffff;
	v36 =	vmul.f32 v36, v37  }
0x70: {  	v57 =	vor.u32 $0x6, v33;
	v56 =	vld.idx.msk [tilespmem:v38+s17+$0x0], $0xffff  }
0x71: {  	v44 =	vld.idx.msk [tilespmem:v40+s16+$0x0], $0xffff;
	v34 =	vmul.f32 v34, v39;
	v36 =	vmul.f32 v36, v31  }
0x72: {  	v59 =	vor.u32 $0x7, v33;
	v58 =	vld.idx.msk [tilespmem:v40+s17+$0x0], $0xffff  }
0x73: {  	v45 =	vld.idx.msk [tilespmem:v42+s16+$0x0], $0xffff;
	v35 =	vmul.f32 v35, v41;
	v34 =	vmul.f32 v34, v30;
	v36 =	vadd.f32 v36, v32  }
0x74: {  	v60 =	vor.u32 $0x8, v33;
	v42 =	vld.idx.msk [tilespmem:v42+s17+$0x0], $0xffff  }
0x75: {  	v46 =	vld.idx.msk [tilespmem:v57+s16+$0x0], $0xffff;
	v61 =	vmul.f32 v56, v43;
	v35 =	vmul.f32 v35, v29;
	v34 =	vadd.f32 v34, v36  }
0x76: {  	v62 =	vor.u32 $0x9, v33;
	v38 =	vld.idx.msk [tilespmem:v57+s17+$0x0], $0xffff  }
0x77: {  	v63 =	vld.idx.msk [tilespmem:v59+s16+$0x0], $0xffff;
	v49 =	vmul.f32 v58, v44;
	v48 =	vmul.f32 v61, v28;
	v34 =	vadd.f32 v35, v34  }
0x78: {  	v50 =	vor.u32 $0xA, v33;
	v40 =	vld.idx.msk [tilespmem:v59+s17+$0x0], $0xffff  }
0x79: {  	v51 =	vld.idx.msk [tilespmem:v60+s16+$0x0], $0xffff;
	v53 =	vmul.f32 v42, v45;
	v52 =	vmul.f32 v49, v27;
	v34 =	vadd.f32 v48, v34  }
0x7a: {  	v54 =	vor.u32 $0xB, v33;
	v41 =	vld.idx.msk [tilespmem:v60+s17+$0x0], $0xffff  }
0x7b: {  	v55 =	vld.idx.msk [tilespmem:v62+s16+$0x0], $0xffff;
	v57 =	vmul.f32 v38, v46;
	v56 =	vmul.f32 v53, v26;
	v34 =	vadd.f32 v52, v34  }
0x7c: {  	v58 =	vor.u32 $0xC, v33;
	v37 =	vld.idx.msk [tilespmem:v62+s17+$0x0], $0xffff  }
0x7d: {  	v59 =	vld.idx.msk [tilespmem:v50+s16+$0x0], $0xffff;
	v60 =	vmul.f32 v57, v25;
	v61 =	vmul.f32 v40, v63;
	v34 =	vadd.f32 v56, v34  }
0x7e: {  	v62 =	vor.u32 $0xD, v33;
	v39 =	vld.idx.msk [tilespmem:v50+s17+$0x0], $0xffff  }
0x7f: {  	v42 =	vld.idx.msk [tilespmem:v54+s17+$0x0], $0xffff;
	v49 =	vmul.f32 v41, v51;
	v48 =	vmul.f32 v61, v24;
	v34 =	vadd.f32 v60, v34  }
0x80: {  	v50 =	vor.u32 $0xE, v33;
	v63 =	vld.idx.msk [tilespmem:v54+s16+$0x0], $0xffff  }
0x81: {  	v51 =	vld.idx.msk [tilespmem:v58+s16+$0x0], $0xffff;
	v53 =	vmul.f32 v37, v55;
	v52 =	vmul.f32 v49, v23;
	v34 =	vadd.f32 v48, v34  }
0x82: {  	v54 =	vor.u32 $0xF, v33;
	v38 =	vld.idx.msk [tilespmem:v58+s17+$0x0], $0xffff  }
0x83: {  	v55 =	vld.idx.msk [tilespmem:v62+s16+$0x0], $0xffff;
	v57 =	vmul.f32 v39, v59;
	v56 =	vmul.f32 v53, v22;
	v34 =	vadd.f32 v52, v34  }
0x84: {  	v58 =	vor.u32 $0x10, v33;
	v40 =	vld.idx.msk [tilespmem:v62+s17+$0x0], $0xffff  }
0x85: {  	v59 =	vld.idx.msk [tilespmem:v50+s16+$0x0], $0xffff;
	v61 =	vmul.f32 v42, v63;
	v60 =	vmul.f32 v57, v21;
	v34 =	vadd.f32 v56, v34  }
0x86: {  	v62 =	vor.u32 $0x11, v33;
	v41 =	vld.idx.msk [tilespmem:v50+s17+$0x0], $0xffff  }
0x87: {  	v37 =	vld.idx.msk [tilespmem:v54+s17+$0x0], $0xffff;
	v49 =	vmul.f32 v38, v51;
	v48 =	vmul.f32 v61, v20;
	v34 =	vadd.f32 v60, v34  }
0x88: {  	v50 =	vor.u32 $0x12, v33;
	v63 =	vld.idx.msk [tilespmem:v54+s16+$0x0], $0xffff  }
0x89: {  	v39 =	vld.idx.msk [tilespmem:v58+s17+$0x0], $0xffff;
	v53 =	vmul.f32 v40, v55;
	v52 =	vmul.f32 v49, v19;
	v34 =	vadd.f32 v48, v34  }
0x8a: {  	v54 =	vor.u32 $0x13, v33;
	v51 =	vld.idx.msk [tilespmem:v58+s16+$0x0], $0xffff  }
0x8b: {  	v42 =	vld.idx.msk [tilespmem:v62+s17+$0x0], $0xffff;
	v57 =	vmul.f32 v41, v59;
	v56 =	vmul.f32 v53, v18;
	v34 =	vadd.f32 v52, v34  }
0x8c: {  	v58 =	vor.u32 $0x14, v33;
	v55 =	vld.idx.msk [tilespmem:v62+s16+$0x0], $0xffff  }
0x8d: {  	v38 =	vld.idx.msk [tilespmem:v50+s17+$0x0], $0xffff;
	v61 =	vmul.f32 v37, v63;
	v60 =	vmul.f32 v57, v17;
	v34 =	vadd.f32 v56, v34  }
0x8e: {  	v62 =	vor.u32 $0x15, v33;
	v59 =	vld.idx.msk [tilespmem:v50+s16+$0x0], $0xffff  }
0x8f: {  	v40 =	vld.idx.msk [tilespmem:v54+s17+$0x0], $0xffff;
	v49 =	vmul.f32 v39, v51;
	v48 =	vmul.f32 v61, v16;
	v34 =	vadd.f32 v60, v34  }
0x90: {  	v50 =	vor.u32 $0x16, v33;
	v63 =	vld.idx.msk [tilespmem:v54+s16+$0x0], $0xffff  }
0x91: {  	v41 =	vld.idx.msk [tilespmem:v58+s17+$0x0], $0xffff;
	v53 =	vmul.f32 v42, v55;
	v52 =	vmul.f32 v49, v15;
	v34 =	vadd.f32 v48, v34  }
0x92: {  	v54 =	vor.u32 $0x17, v33;
	v51 =	vld.idx.msk [tilespmem:v58+s16+$0x0], $0xffff  }
0x93: {  	v37 =	vld.idx.msk [tilespmem:v62+s17+$0x0], $0xffff;
	v57 =	vmul.f32 v38, v59;
	v56 =	vmul.f32 v53, v14;
	v34 =	vadd.f32 v52, v34  }
0x94: {  	v58 =	vor.u32 $0x18, v33;
	v55 =	vld.idx.msk [tilespmem:v62+s16+$0x0], $0xffff  }
0x95: {  	v39 =	vld.idx.msk [tilespmem:v50+s17+$0x0], $0xffff;
	v61 =	vmul.f32 v40, v63;
	v60 =	vmul.f32 v57, v13;
	v34 =	vadd.f32 v56, v34  }
0x96: {  	v62 =	vor.u32 $0x19, v33;
	v59 =	vld.idx.msk [tilespmem:v50+s16+$0x0], $0xffff  }
0x97: {  	v42 =	vld.idx.msk [tilespmem:v54+s17+$0x0], $0xffff;
	v49 =	vmul.f32 v41, v51;
	v48 =	vmul.f32 v61, v12;
	v34 =	vadd.f32 v60, v34  }
0x98: {  	v50 =	vor.u32 $0x1A, v33;
	v63 =	vld.idx.msk [tilespmem:v54+s16+$0x0], $0xffff  }
0x99: {  	v38 =	vld.idx.msk [tilespmem:v58+s17+$0x0], $0xffff;
	v53 =	vmul.f32 v37, v55;
	v52 =	vmul.f32 v49, v11;
	v34 =	vadd.f32 v48, v34  }
0x9a: {  	v54 =	vor.u32 $0x1B, v33;
	v51 =	vld.idx.msk [tilespmem:v58+s16+$0x0], $0xffff  }
0x9b: {  	v40 =	vld.idx.msk [tilespmem:v62+s17+$0x0], $0xffff;
	v57 =	vmul.f32 v39, v59;
	v56 =	vmul.f32 v53, v10;
	v34 =	vadd.f32 v52, v34  }
0x9c: {  	v58 =	vor.u32 $0x1C, v33;
	v55 =	vld.idx.msk [tilespmem:v62+s16+$0x0], $0xffff  }
0x9d: {  	v41 =	vld.idx.msk [tilespmem:v50+s17+$0x0], $0xffff;
	v61 =	vmul.f32 v42, v63;
	v60 =	vmul.f32 v57, v9;
	v34 =	vadd.f32 v56, v34  }
0x9e: {  	v62 =	vor.u32 $0x1D, v33;
	v59 =	vld.idx.msk [tilespmem:v50+s16+$0x0], $0xffff  }
0x9f: {  	v37 =	vld.idx.msk [tilespmem:v54+s17+$0x0], $0xffff;
	v49 =	vmul.f32 v38, v51;
	v48 =	vmul.f32 v61, v8;
	v34 =	vadd.f32 v60, v34  }
0xa0: {  	v50 =	vor.u32 $0x1E, v33;
	v63 =	vld.idx.msk [tilespmem:v54+s16+$0x0], $0xffff  }
0xa1: {  	v39 =	vld.idx.msk [tilespmem:v58+s17+$0x0], $0xffff;
	v53 =	vmul.f32 v40, v55;
	v52 =	vmul.f32 v49, v7;
	v34 =	vadd.f32 v48, v34  }
0xa2: {  	v33 =	vor.u32 $0x1F, v33;
	v51 =	vld.idx.msk [tilespmem:v58+s16+$0x0], $0xffff  }
0xa3: {  	v54 =	vld.idx.msk [tilespmem:v62+s16+$0x0], $0xffff;
	v55 =	vmul.f32 v53, v6;
	v56 =	vmul.f32 v41, v59;
	v34 =	vadd.f32 v52, v34  }
0xa4: {  	v57 =	vld.idx.msk [tilespmem:v62+s17+$0x0], $0xffff  }
0xa5: {  	v58 =	vld.idx.msk [tilespmem:v50+s16+$0x0], $0xffff;
	v59 =	vmul.f32 v56, v5;
	v60 =	vmul.f32 v37, v63;
	v34 =	vadd.f32 v55, v34  }
0xa6: {  	v61 =	vld.idx.msk [tilespmem:v50+s17+$0x0], $0xffff  }
0xa7: {  	v44 =	vld.idx.msk [tilespmem:v33+s17+$0x0], $0xffff;
	v43 =	vmul.f32 v39, v51;
	v63 =	vmul.f32 v60, v4;
	v34 =	vadd.f32 v59, v34  }
0xa8: {  	v62 =	vld.idx.msk [tilespmem:v33+s16+$0x0], $0xffff  }
0xa9: {  	v45 =	vmul.f32 v43, v3;
	v46 =	vmul.f32 v57, v54;
	v34 =	vadd.f32 v63, v34  }
0xaa: {  	v33 =	vld [tilespmem:$0x87F0]  }
0xab: {  	v47 =	vmul.f32 v46, v2;
	v48 =	vmul.f32 v61, v58;
	v34 =	vadd.f32 v45, v34;
	_ =	sdelay $0x1  }
0xac: {  	v50 =	vmul.f32 v44, v62;
	v49 =	vmul.f32 v48, v1;
	v34 =	vadd.f32 v47, v34;
	_ =	sdelay $0x1  }
0xad: {  	v51 =	vmul.f32 v50, v33;
	v34 =	vadd.f32 v49, v34;
	_ =	sdelay $0x1  }
0xae: {  	v34 =	vadd.f32 v51, v34;
	_ =	sdelay $0x1  }
0xaf: {  	v34 =	vsub.f32 $0.0e+00, v34;
	_ =	sdelay $0x1  }
0xb0: {  	v34 =	vmul.f32 $1.442695020e+00, v34;
	_ =	sdelay $0x1  }
0xb1: {  	(erf) = vpow2.f32 v34;
	_ =	sdelay $0x8  }
0xb2: {  	v34 =	vpop (erf)  }
0xb3: {  	v34 =	vadd.f32 $1.000000000e+00, v34;
	_ =	sdelay $0x1  }
0xb4: {  	(erf) = vrcp.f32 v34;
	_ =	sdelay $0x2  }
0xb5: {  	s13 =	simm.s32 $0x10  }
0xb6: {  	v52 =	vmov s13  }
0xb7: {  	v34 =	vshll.u32 v52, $0x5  }
0xb8: {  	v34 =	vor.u32 v0, v34;
	_ =	sdelay $0x1  }
0xb9: {  	v53 =	vor.u32 $0x1, v34  }
0xba: {  	v54 =	vpop (erf)  }
0xbb: {  	v55 =	vor.u32 $0x2, v34;
	[tilespmem:s31+$0x0] =	vst v54  }
0xbc: {  	v36 =	vld.idx.msk [tilespmem:v34+s17+$0x0], $0xffff  }
0xbd: {  	v57 =	vor.u32 $0x3, v34;
	v56 =	vld.idx.msk [tilespmem:v34+s16+$0x0], $0xffff  }
0xbe: {  	v58 =	vld.idx.msk [tilespmem:v53+s16+$0x0], $0xffff  }
0xbf: {  	v59 =	vor.u32 $0x4, v34;
	v35 =	vld.idx.msk [tilespmem:v53+s17+$0x0], $0xffff  }
0xc0: {  	v60 =	vld.idx.msk [tilespmem:v55+s16+$0x0], $0xffff  }
0xc1: {  	v61 =	vor.u32 $0x5, v34;
	v37 =	vld.idx.msk [tilespmem:v55+s17+$0x0], $0xffff  }
0xc2: {  	v62 =	vld.idx.msk [tilespmem:v57+s16+$0x0], $0xffff;
	v36 =	vmul.f32 v36, v56  }
0xc3: {  	v48 =	vor.u32 $0x6, v34;
	v63 =	vld.idx.msk [tilespmem:v57+s17+$0x0], $0xffff  }
0xc4: {  	v49 =	vld.idx.msk [tilespmem:v59+s16+$0x0], $0xffff;
	v35 =	vmul.f32 v35, v58;
	v36 =	vmul.f32 v36, v31  }
0xc5: {  	v51 =	vor.u32 $0x7, v34;
	v50 =	vld.idx.msk [tilespmem:v59+s17+$0x0], $0xffff  }
0xc6: {  	v52 =	vld.idx.msk [tilespmem:v61+s16+$0x0], $0xffff;
	v37 =	vmul.f32 v37, v60;
	v35 =	vmul.f32 v35, v30;
	v36 =	vadd.f32 v36, v32  }
0xc7: {  	v53 =	vor.u32 $0x8, v34;
	v43 =	vld.idx.msk [tilespmem:v61+s17+$0x0], $0xffff  }
0xc8: {  	v47 =	vld.idx.msk [tilespmem:v48+s16+$0x0], $0xffff;
	v55 =	vmul.f32 v63, v62;
	v54 =	vmul.f32 v37, v29;
	v35 =	vadd.f32 v35, v36  }
0xc9: {  	v39 =	vld.idx.msk [tilespmem:v48+s17+$0x0], $0xffff;
	v56 =	vor.u32 $0x9, v34  }
0xca: {  	v57 =	vld.idx.msk [tilespmem:v51+s16+$0x0], $0xffff;
	v59 =	vmul.f32 v50, v49;
	v58 =	vmul.f32 v55, v28;
	v35 =	vadd.f32 v54, v35  }
0xcb: {  	v41 =	vld.idx.msk [tilespmem:v51+s17+$0x0], $0xffff;
	v60 =	vor.u32 $0xA, v34  }
0xcc: {  	v61 =	vld.idx.msk [tilespmem:v53+s16+$0x0], $0xffff;
	v63 =	vmul.f32 v43, v52;
	v62 =	vmul.f32 v59, v27;
	v35 =	vadd.f32 v58, v35  }
0xcd: {  	v48 =	vor.u32 $0xB, v34;
	v42 =	vld.idx.msk [tilespmem:v53+s17+$0x0], $0xffff  }
0xce: {  	v51 =	vmul.f32 v39, v47;
	v50 =	vmul.f32 v63, v26;
	v49 =	vld.idx.msk [tilespmem:v56+s16+$0x0], $0xffff;
	v35 =	vadd.f32 v62, v35  }
0xcf: {  	v52 =	vor.u32 $0xC, v34;
	v38 =	vld.idx.msk [tilespmem:v56+s17+$0x0], $0xffff  }
0xd0: {  	v55 =	vmul.f32 v41, v57;
	v53 =	vld.idx.msk [tilespmem:v60+s16+$0x0], $0xffff;
	v54 =	vmul.f32 v51, v25;
	v35 =	vadd.f32 v50, v35  }
0xd1: {  	v56 =	vor.u32 $0xD, v34;
	v40 =	vld.idx.msk [tilespmem:v60+s17+$0x0], $0xffff  }
0xd2: {  	v43 =	vld.idx.msk [tilespmem:v48+s17+$0x0], $0xffff;
	v59 =	vmul.f32 v42, v61;
	v58 =	vmul.f32 v55, v24;
	v35 =	vadd.f32 v54, v35  }
0xd3: {  	v57 =	vld.idx.msk [tilespmem:v48+s16+$0x0], $0xffff;
	v60 =	vor.u32 $0xE, v34  }
0xd4: {  	v61 =	vld.idx.msk [tilespmem:v52+s16+$0x0], $0xffff;
	v63 =	vmul.f32 v38, v49;
	v62 =	vmul.f32 v59, v23;
	v35 =	vadd.f32 v58, v35  }
0xd5: {  	v48 =	vor.u32 $0xF, v34;
	v39 =	vld.idx.msk [tilespmem:v52+s17+$0x0], $0xffff  }
0xd6: {  	v49 =	vld.idx.msk [tilespmem:v56+s16+$0x0], $0xffff;
	v51 =	vmul.f32 v40, v53;
	v50 =	vmul.f32 v63, v22;
	v35 =	vadd.f32 v62, v35  }
0xd7: {  	v52 =	vor.u32 $0x10, v34;
	v41 =	vld.idx.msk [tilespmem:v56+s17+$0x0], $0xffff  }
0xd8: {  	v53 =	vld.idx.msk [tilespmem:v60+s16+$0x0], $0xffff;
	v55 =	vmul.f32 v43, v57;
	v54 =	vmul.f32 v51, v21;
	v35 =	vadd.f32 v50, v35  }
0xd9: {  	v56 =	vor.u32 $0x11, v34;
	v42 =	vld.idx.msk [tilespmem:v60+s17+$0x0], $0xffff  }
0xda: {  	v57 =	vld.idx.msk [tilespmem:v48+s16+$0x0], $0xffff;
	v59 =	vmul.f32 v39, v61;
	v58 =	vmul.f32 v55, v20;
	v35 =	vadd.f32 v54, v35  }
0xdb: {  	v60 =	vor.u32 $0x12, v34;
	v38 =	vld.idx.msk [tilespmem:v48+s17+$0x0], $0xffff  }
0xdc: {  	v40 =	vld.idx.msk [tilespmem:v52+s17+$0x0], $0xffff;
	v63 =	vmul.f32 v41, v49;
	v62 =	vmul.f32 v59, v19;
	v35 =	vadd.f32 v58, v35  }
0xdd: {  	v48 =	vor.u32 $0x13, v34;
	v61 =	vld.idx.msk [tilespmem:v52+s16+$0x0], $0xffff  }
0xde: {  	v49 =	vld.idx.msk [tilespmem:v56+s16+$0x0], $0xffff;
	v51 =	vmul.f32 v42, v53;
	v50 =	vmul.f32 v63, v18;
	v35 =	vadd.f32 v62, v35  }
0xdf: {  	v52 =	vor.u32 $0x14, v34;
	v43 =	vld.idx.msk [tilespmem:v56+s17+$0x0], $0xffff  }
0xe0: {  	v39 =	vld.idx.msk [tilespmem:v60+s17+$0x0], $0xffff;
	v55 =	vmul.f32 v38, v57;
	v54 =	vmul.f32 v51, v17;
	v35 =	vadd.f32 v50, v35  }
0xe1: {  	v56 =	vor.u32 $0x15, v34;
	v53 =	vld.idx.msk [tilespmem:v60+s16+$0x0], $0xffff  }
0xe2: {  	v41 =	vld.idx.msk [tilespmem:v48+s17+$0x0], $0xffff;
	v59 =	vmul.f32 v40, v61;
	v58 =	vmul.f32 v55, v16;
	v35 =	vadd.f32 v54, v35  }
0xe3: {  	v60 =	vor.u32 $0x16, v34;
	v57 =	vld.idx.msk [tilespmem:v48+s16+$0x0], $0xffff  }
0xe4: {  	v42 =	vld.idx.msk [tilespmem:v52+s17+$0x0], $0xffff;
	v63 =	vmul.f32 v43, v49;
	v62 =	vmul.f32 v59, v15;
	v35 =	vadd.f32 v58, v35  }
0xe5: {  	v48 =	vor.u32 $0x17, v34;
	v61 =	vld.idx.msk [tilespmem:v52+s16+$0x0], $0xffff  }
0xe6: {  	v38 =	vld.idx.msk [tilespmem:v56+s17+$0x0], $0xffff;
	v51 =	vmul.f32 v39, v53;
	v50 =	vmul.f32 v63, v14;
	v35 =	vadd.f32 v62, v35  }
0xe7: {  	v52 =	vor.u32 $0x18, v34;
	v49 =	vld.idx.msk [tilespmem:v56+s16+$0x0], $0xffff  }
0xe8: {  	v40 =	vld.idx.msk [tilespmem:v60+s17+$0x0], $0xffff;
	v55 =	vmul.f32 v41, v57;
	v54 =	vmul.f32 v51, v13;
	v35 =	vadd.f32 v50, v35  }
0xe9: {  	v56 =	vor.u32 $0x19, v34;
	v53 =	vld.idx.msk [tilespmem:v60+s16+$0x0], $0xffff  }
0xea: {  	v43 =	vld.idx.msk [tilespmem:v48+s17+$0x0], $0xffff;
	v59 =	vmul.f32 v42, v61;
	v58 =	vmul.f32 v55, v12;
	v35 =	vadd.f32 v54, v35  }
0xeb: {  	v60 =	vor.u32 $0x1A, v34;
	v57 =	vld.idx.msk [tilespmem:v48+s16+$0x0], $0xffff  }
0xec: {  	v39 =	vld.idx.msk [tilespmem:v52+s17+$0x0], $0xffff;
	v63 =	vmul.f32 v38, v49;
	v62 =	vmul.f32 v59, v11;
	v35 =	vadd.f32 v58, v35  }
0xed: {  	v48 =	vor.u32 $0x1B, v34;
	v61 =	vld.idx.msk [tilespmem:v52+s16+$0x0], $0xffff  }
0xee: {  	v41 =	vld.idx.msk [tilespmem:v56+s17+$0x0], $0xffff;
	v51 =	vmul.f32 v40, v53;
	v50 =	vmul.f32 v63, v10;
	v35 =	vadd.f32 v62, v35  }
0xef: {  	v52 =	vor.u32 $0x1C, v34;
	v49 =	vld.idx.msk [tilespmem:v56+s16+$0x0], $0xffff  }
0xf0: {  	v42 =	vld.idx.msk [tilespmem:v60+s17+$0x0], $0xffff;
	v55 =	vmul.f32 v43, v57;
	v54 =	vmul.f32 v51, v9;
	v35 =	vadd.f32 v50, v35  }
0xf1: {  	v56 =	vor.u32 $0x1D, v34;
	v53 =	vld.idx.msk [tilespmem:v60+s16+$0x0], $0xffff  }
0xf2: {  	v38 =	vld.idx.msk [tilespmem:v48+s17+$0x0], $0xffff;
	v59 =	vmul.f32 v39, v61;
	v58 =	vmul.f32 v55, v8;
	v35 =	vadd.f32 v54, v35  }
0xf3: {  	v60 =	vor.u32 $0x1E, v34;
	v57 =	vld.idx.msk [tilespmem:v48+s16+$0x0], $0xffff  }
0xf4: {  	v40 =	vld.idx.msk [tilespmem:v52+s17+$0x0], $0xffff;
	v63 =	vmul.f32 v41, v49;
	v62 =	vmul.f32 v59, v7;
	v35 =	vadd.f32 v58, v35  }
0xf5: {  	v34 =	vor.u32 $0x1F, v34;
	v61 =	vld.idx.msk [tilespmem:v52+s16+$0x0], $0xffff  }
0xf6: {  	v46 =	vld.idx.msk [tilespmem:v56+s16+$0x0], $0xffff;
	v49 =	vmul.f32 v42, v53;
	v48 =	vmul.f32 v63, v6;
	v35 =	vadd.f32 v62, v35  }
0xf7: {  	v50 =	vld.idx.msk [tilespmem:v56+s17+$0x0], $0xffff  }
0xf8: {  	v53 =	vmul.f32 v38, v57;
	v51 =	vld.idx.msk [tilespmem:v60+s16+$0x0], $0xffff;
	v52 =	vmul.f32 v49, v5;
	v35 =	vadd.f32 v48, v35  }
0xf9: {  	v54 =	vld.idx.msk [tilespmem:v60+s17+$0x0], $0xffff  }
0xfa: {  	v57 =	vmul.f32 v40, v61;
	v55 =	vld.idx.msk [tilespmem:v34+s16+$0x0], $0xffff;
	v56 =	vmul.f32 v53, v4;
	v35 =	vadd.f32 v52, v35  }
0xfb: {  	v34 =	vld.idx.msk [tilespmem:v34+s17+$0x0], $0xffff  }
0xfc: {  	v58 =	vmul.f32 v57, v3;
	v59 =	vmul.f32 v50, v46;
	v35 =	vadd.f32 v56, v35;
	_ =	sdelay $0x1  }
0xfd: {  	v60 =	vmul.f32 v59, v2;
	v61 =	vmul.f32 v54, v51;
	v35 =	vadd.f32 v58, v35;
	_ =	sdelay $0x1  }
0xfe: {  	v34 =	vmul.f32 v34, v55;
	v62 =	vmul.f32 v61, v1;
	v35 =	vadd.f32 v60, v35;
	_ =	sdelay $0x1  }
0xff: {  	v34 =	vmul.f32 v34, v33;
	v35 =	vadd.f32 v62, v35;
	_ =	sdelay $0x1  }
0x100: {  	v34 =	vadd.f32 v34, v35;
	_ =	sdelay $0x1  }
0x101: {  	v34 =	vsub.f32 $0.0e+00, v34;
	_ =	sdelay $0x1  }
0x102: {  	v34 =	vmul.f32 $1.442695020e+00, v34;
	_ =	sdelay $0x1  }
0x103: {  	(erf) = vpow2.f32 v34;
	_ =	sdelay $0x8  }
0x104: {  	v34 =	vpop (erf)  }
0x105: {  	v34 =	vadd.f32 $1.000000000e+00, v34;
	_ =	sdelay $0x1  }
0x106: {  	(erf) = vrcp.f32 v34;
	_ =	sdelay $0x2  }
0x107: {  	s13 =	simm.s32 $0x20  }
0x108: {  	v63 =	vmov s13  }
0x109: {  	s2 =	simm.s32 $0x8400;
	s13 =	simm.s32 $0x30;
	v34 =	vshll.u32 v63, $0x5  }
.LBB2_2:
0x10a: {  	p0 =	sne.s32 s13, $0x1F0;
	v34 =	vor.u32 v0, v34;
	_ =	sdelay $0x1  }
0x10b: {  	v35 =	vor.u32 $0x1, v34  }
0x10c: {  	s2 =	sadd.s32 $0x10, s2;
	v36 =	vpop (erf)  }
0x10d: {  	v37 =	vor.u32 $0x2, v34;
	[tilespmem:s2+$0x0] =	vst v36  }
0x10e: {  	v36 =	vld.idx.msk [tilespmem:v34+s17+$0x0], $0xffff  }
0x10f: {  	v39 =	vor.u32 $0x3, v34;
	v38 =	vld.idx.msk [tilespmem:v34+s16+$0x0], $0xffff  }
0x110: {  	v40 =	vld.idx.msk [tilespmem:v35+s16+$0x0], $0xffff  }
0x111: {  	v41 =	vor.u32 $0x4, v34;
	v35 =	vld.idx.msk [tilespmem:v35+s17+$0x0], $0xffff  }
0x112: {  	v42 =	vld.idx.msk [tilespmem:v37+s16+$0x0], $0xffff  }
0x113: {  	v43 =	vor.u32 $0x5, v34;
	v37 =	vld.idx.msk [tilespmem:v37+s17+$0x0], $0xffff  }
0x114: {  	v44 =	vld.idx.msk [tilespmem:v39+s16+$0x0], $0xffff  }
0x115: {  	v36 =	vmul.f32 v36, v38;
	v38 =	vld.idx.msk [tilespmem:v39+s17+$0x0], $0xffff;
	v39 =	vor.u32 $0x6, v34  }
0x116: {  	v45 =	vld.idx.msk [tilespmem:v41+s16+$0x0], $0xffff  }
0x117: {  	v36 =	vmul.f32 v36, v31;
	v35 =	vmul.f32 v35, v40;
	v40 =	vld.idx.msk [tilespmem:v41+s17+$0x0], $0xffff;
	v41 =	vor.u32 $0x7, v34  }
0x118: {  	v47 =	vor.u32 $0x8, v34;
	v46 =	vld.idx.msk [tilespmem:v43+s16+$0x0], $0xffff  }
0x119: {  	v36 =	vadd.f32 v36, v32;
	v35 =	vmul.f32 v35, v30;
	v37 =	vmul.f32 v37, v42;
	v42 =	vld.idx.msk [tilespmem:v43+s17+$0x0], $0xffff  }
0x11a: {  	v48 =	vor.u32 $0x9, v34;
	v43 =	vld.idx.msk [tilespmem:v39+s16+$0x0], $0xffff  }
0x11b: {  	v35 =	vadd.f32 v35, v36;
	v36 =	vmul.f32 v37, v29;
	v37 =	vmul.f32 v38, v44;
	v38 =	vld.idx.msk [tilespmem:v39+s17+$0x0], $0xffff  }
0x11c: {  	v44 =	vor.u32 $0xA, v34;
	v39 =	vld.idx.msk [tilespmem:v41+s16+$0x0], $0xffff  }
0x11d: {  	v35 =	vadd.f32 v36, v35;
	v36 =	vmul.f32 v37, v28;
	v37 =	vmul.f32 v40, v45;
	v40 =	vld.idx.msk [tilespmem:v41+s17+$0x0], $0xffff  }
0x11e: {  	v45 =	vor.u32 $0xB, v34;
	v41 =	vld.idx.msk [tilespmem:v47+s16+$0x0], $0xffff  }
0x11f: {  	v35 =	vadd.f32 v36, v35;
	v36 =	vmul.f32 v37, v27;
	v37 =	vmul.f32 v42, v46;
	v42 =	vld.idx.msk [tilespmem:v47+s17+$0x0], $0xffff  }
0x120: {  	v47 =	vor.u32 $0xC, v34;
	v46 =	vld.idx.msk [tilespmem:v48+s16+$0x0], $0xffff  }
0x121: {  	v35 =	vadd.f32 v36, v35;
	v36 =	vmul.f32 v37, v26;
	v37 =	vmul.f32 v38, v43;
	v38 =	vld.idx.msk [tilespmem:v48+s17+$0x0], $0xffff  }
0x122: {  	v48 =	vor.u32 $0xD, v34;
	v43 =	vld.idx.msk [tilespmem:v44+s16+$0x0], $0xffff  }
0x123: {  	v35 =	vadd.f32 v36, v35;
	v36 =	vmul.f32 v37, v25;
	v37 =	vmul.f32 v40, v39;
	v39 =	vld.idx.msk [tilespmem:v44+s17+$0x0], $0xffff  }
0x124: {  	v44 =	vor.u32 $0xE, v34;
	v40 =	vld.idx.msk [tilespmem:v45+s16+$0x0], $0xffff  }
0x125: {  	v35 =	vadd.f32 v36, v35;
	v36 =	vmul.f32 v37, v24;
	v37 =	vmul.f32 v42, v41;
	v41 =	vld.idx.msk [tilespmem:v45+s17+$0x0], $0xffff  }
0x126: {  	v45 =	vor.u32 $0xF, v34;
	v42 =	vld.idx.msk [tilespmem:v47+s16+$0x0], $0xffff  }
0x127: {  	v35 =	vadd.f32 v36, v35;
	v36 =	vmul.f32 v37, v23;
	v37 =	vmul.f32 v38, v46;
	v38 =	vld.idx.msk [tilespmem:v47+s17+$0x0], $0xffff  }
0x128: {  	v47 =	vor.u32 $0x10, v34;
	v46 =	vld.idx.msk [tilespmem:v48+s16+$0x0], $0xffff  }
0x129: {  	v35 =	vadd.f32 v36, v35;
	v36 =	vmul.f32 v37, v22;
	v37 =	vmul.f32 v39, v43;
	v39 =	vld.idx.msk [tilespmem:v48+s17+$0x0], $0xffff  }
0x12a: {  	v48 =	vor.u32 $0x11, v34;
	v43 =	vld.idx.msk [tilespmem:v44+s16+$0x0], $0xffff  }
0x12b: {  	v35 =	vadd.f32 v36, v35;
	v36 =	vmul.f32 v37, v21;
	v37 =	vmul.f32 v41, v40;
	v40 =	vld.idx.msk [tilespmem:v44+s17+$0x0], $0xffff  }
0x12c: {  	v44 =	vor.u32 $0x12, v34;
	v41 =	vld.idx.msk [tilespmem:v45+s16+$0x0], $0xffff  }
0x12d: {  	v35 =	vadd.f32 v36, v35;
	v36 =	vmul.f32 v37, v20;
	v37 =	vmul.f32 v38, v42;
	v38 =	vld.idx.msk [tilespmem:v45+s17+$0x0], $0xffff  }
0x12e: {  	v45 =	vor.u32 $0x13, v34;
	v42 =	vld.idx.msk [tilespmem:v47+s16+$0x0], $0xffff  }
0x12f: {  	v35 =	vadd.f32 v36, v35;
	v36 =	vmul.f32 v37, v19;
	v37 =	vmul.f32 v39, v46;
	v39 =	vld.idx.msk [tilespmem:v47+s17+$0x0], $0xffff  }
0x130: {  	v47 =	vor.u32 $0x14, v34;
	v46 =	vld.idx.msk [tilespmem:v48+s16+$0x0], $0xffff  }
0x131: {  	v35 =	vadd.f32 v36, v35;
	v36 =	vmul.f32 v37, v18;
	v37 =	vmul.f32 v40, v43;
	v40 =	vld.idx.msk [tilespmem:v48+s17+$0x0], $0xffff  }
0x132: {  	v48 =	vor.u32 $0x15, v34;
	v43 =	vld.idx.msk [tilespmem:v44+s16+$0x0], $0xffff  }
0x133: {  	v35 =	vadd.f32 v36, v35;
	v36 =	vmul.f32 v37, v17;
	v37 =	vmul.f32 v38, v41;
	v38 =	vld.idx.msk [tilespmem:v44+s17+$0x0], $0xffff  }
0x134: {  	v44 =	vor.u32 $0x16, v34;
	v41 =	vld.idx.msk [tilespmem:v45+s16+$0x0], $0xffff  }
0x135: {  	v35 =	vadd.f32 v36, v35;
	v36 =	vmul.f32 v37, v16;
	v37 =	vmul.f32 v39, v42;
	v39 =	vld.idx.msk [tilespmem:v45+s17+$0x0], $0xffff  }
0x136: {  	v45 =	vor.u32 $0x17, v34;
	v42 =	vld.idx.msk [tilespmem:v47+s16+$0x0], $0xffff  }
0x137: {  	v35 =	vadd.f32 v36, v35;
	v36 =	vmul.f32 v37, v15;
	v37 =	vmul.f32 v40, v46;
	v40 =	vld.idx.msk [tilespmem:v47+s17+$0x0], $0xffff  }
0x138: {  	v47 =	vor.u32 $0x18, v34;
	v46 =	vld.idx.msk [tilespmem:v48+s16+$0x0], $0xffff  }
0x139: {  	v35 =	vadd.f32 v36, v35;
	v36 =	vmul.f32 v37, v14;
	v37 =	vmul.f32 v38, v43;
	v38 =	vld.idx.msk [tilespmem:v48+s17+$0x0], $0xffff  }
0x13a: {  	v48 =	vor.u32 $0x19, v34;
	v43 =	vld.idx.msk [tilespmem:v44+s16+$0x0], $0xffff  }
0x13b: {  	v35 =	vadd.f32 v36, v35;
	v36 =	vmul.f32 v37, v13;
	v37 =	vmul.f32 v39, v41;
	v39 =	vld.idx.msk [tilespmem:v44+s17+$0x0], $0xffff  }
0x13c: {  	v44 =	vor.u32 $0x1A, v34;
	v41 =	vld.idx.msk [tilespmem:v45+s16+$0x0], $0xffff  }
0x13d: {  	v35 =	vadd.f32 v36, v35;
	v36 =	vmul.f32 v37, v12;
	v37 =	vmul.f32 v40, v42;
	v40 =	vld.idx.msk [tilespmem:v45+s17+$0x0], $0xffff  }
0x13e: {  	v45 =	vor.u32 $0x1B, v34;
	v42 =	vld.idx.msk [tilespmem:v47+s16+$0x0], $0xffff  }
0x13f: {  	v35 =	vadd.f32 v36, v35;
	v36 =	vmul.f32 v37, v11;
	v37 =	vmul.f32 v38, v46;
	v38 =	vld.idx.msk [tilespmem:v47+s17+$0x0], $0xffff  }
0x140: {  	v47 =	vor.u32 $0x1C, v34;
	v46 =	vld.idx.msk [tilespmem:v48+s16+$0x0], $0xffff  }
0x141: {  	v35 =	vadd.f32 v36, v35;
	v36 =	vmul.f32 v37, v10;
	v37 =	vmul.f32 v39, v43;
	v39 =	vld.idx.msk [tilespmem:v48+s17+$0x0], $0xffff  }
0x142: {  	v48 =	vor.u32 $0x1D, v34;
	v43 =	vld.idx.msk [tilespmem:v44+s16+$0x0], $0xffff  }
0x143: {  	v35 =	vadd.f32 v36, v35;
	v36 =	vmul.f32 v37, v9;
	v37 =	vmul.f32 v40, v41;
	v40 =	vld.idx.msk [tilespmem:v44+s17+$0x0], $0xffff  }
0x144: {  	v44 =	vor.u32 $0x1E, v34;
	v41 =	vld.idx.msk [tilespmem:v45+s16+$0x0], $0xffff  }
0x145: {  	v35 =	vadd.f32 v36, v35;
	v36 =	vmul.f32 v37, v8;
	v37 =	vmul.f32 v38, v42;
	v38 =	vld.idx.msk [tilespmem:v45+s17+$0x0], $0xffff  }
0x146: {  	v34 =	vor.u32 $0x1F, v34;
	v42 =	vld.idx.msk [tilespmem:v47+s16+$0x0], $0xffff  }
0x147: {  	v35 =	vadd.f32 v36, v35;
	v36 =	vmul.f32 v37, v7;
	v37 =	vmul.f32 v39, v46;
	v39 =	vld.idx.msk [tilespmem:v47+s17+$0x0], $0xffff  }
0x148: {  	v45 =	vld.idx.msk [tilespmem:v48+s16+$0x0], $0xffff  }
0x149: {  	v35 =	vadd.f32 v36, v35;
	v36 =	vmul.f32 v37, v6;
	v37 =	vmul.f32 v40, v43;
	v40 =	vld.idx.msk [tilespmem:v48+s17+$0x0], $0xffff  }
0x14a: {  	v43 =	vld.idx.msk [tilespmem:v44+s16+$0x0], $0xffff  }
0x14b: {  	v35 =	vadd.f32 v36, v35;
	v36 =	vmul.f32 v37, v5;
	v37 =	vmul.f32 v38, v41;
	v38 =	vld.idx.msk [tilespmem:v44+s17+$0x0], $0xffff  }
0x14c: {  	v41 =	vld.idx.msk [tilespmem:v34+s16+$0x0], $0xffff  }
0x14d: {  	v35 =	vadd.f32 v36, v35;
	v36 =	vmul.f32 v37, v4;
	v37 =	vmul.f32 v39, v42;
	v34 =	vld.idx.msk [tilespmem:v34+s17+$0x0], $0xffff;
	_ =	sdelay $0x1  }
0x14e: {  	v35 =	vadd.f32 v36, v35;
	v36 =	vmul.f32 v37, v3;
	v37 =	vmul.f32 v40, v45;
	_ =	sdelay $0x1  }
0x14f: {  	v35 =	vadd.f32 v36, v35;
	v36 =	vmul.f32 v37, v2;
	v37 =	vmul.f32 v38, v43;
	_ =	sdelay $0x1  }
0x150: {  	v35 =	vadd.f32 v36, v35;
	v36 =	vmul.f32 v37, v1;
	v34 =	vmul.f32 v34, v41;
	_ =	sdelay $0x1  }
0x151: {  	v35 =	vadd.f32 v36, v35;
	v34 =	vmul.f32 v34, v33;
	_ =	sdelay $0x1  }
0x152: {  	v34 =	vadd.f32 v34, v35;
	_ =	sdelay $0x1  }
0x153: {  	v34 =	vsub.f32 $0.0e+00, v34;
	_ =	sdelay $0x1  }
0x154: {  	v34 =	vmul.f32 $1.442695020e+00, v34;
	_ =	sdelay $0x1  }
0x155: {  	(erf) = vpow2.f32 v34;
	_ =	sdelay $0x8  }
0x156: {  	v34 =	vpop (erf)  }
0x157: {  	v34 =	vadd.f32 $1.000000000e+00, v34;
	_ =	sdelay $0x1  }
0x158: {  	(erf) = vrcp.f32 v34  }
.Ltmp0:
0x159: {  	(pc) =	sbr.rel @p0 .LBB2_2-.Ltmp0, $3  }
0x15a: {  	_ =	sdelay $0x1  }
0x15b: {  	v34 =	vmov s13  }
0x15c: {  	s13 =	sadd.s32 $0x10, s13;
	v34 =	vshll.u32 v34, $0x5  }
0x15d: {  	v34 =	vor.u32 v0, v34;
	_ =	sdelay $0x1  }
0x15e: {  	v35 =	vor.u32 $0x1, v34  }
0x15f: {  	s2 =	sadd.s32 $0x10, s2;
	v36 =	vpop (erf)  }
0x160: {  	v37 =	vor.u32 $0x2, v34;
	[tilespmem:s2+$0x0] =	vst v36  }
0x161: {  	v36 =	vld.idx.msk [tilespmem:v34+s17+$0x0], $0xffff  }
0x162: {  	v39 =	vor.u32 $0x3, v34;
	v38 =	vld.idx.msk [tilespmem:v34+s16+$0x0], $0xffff  }
0x163: {  	v40 =	vld.idx.msk [tilespmem:v35+s16+$0x0], $0xffff  }
0x164: {  	v41 =	vor.u32 $0x4, v34;
	v35 =	vld.idx.msk [tilespmem:v35+s17+$0x0], $0xffff  }
0x165: {  	v42 =	vld.idx.msk [tilespmem:v37+s16+$0x0], $0xffff  }
0x166: {  	v43 =	vor.u32 $0x5, v34;
	v37 =	vld.idx.msk [tilespmem:v37+s17+$0x0], $0xffff  }
0x167: {  	v44 =	vld.idx.msk [tilespmem:v39+s16+$0x0], $0xffff;
	v36 =	vmul.f32 v36, v38  }
0x168: {  	v54 =	vor.u32 $0x6, v34;
	v53 =	vld.idx.msk [tilespmem:v39+s17+$0x0], $0xffff  }
0x169: {  	v45 =	vld.idx.msk [tilespmem:v41+s16+$0x0], $0xffff;
	v35 =	vmul.f32 v35, v40;
	v31 =	vmul.f32 v36, v31  }
0x16a: {  	v56 =	vor.u32 $0x7, v34;
	v55 =	vld.idx.msk [tilespmem:v41+s17+$0x0], $0xffff  }
0x16b: {  	v57 =	vld.idx.msk [tilespmem:v43+s16+$0x0], $0xffff;
	v58 =	vmul.f32 v37, v42;
	v30 =	vmul.f32 v35, v30;
	v31 =	vadd.f32 v31, v32  }
0x16c: {  	v59 =	vor.u32 $0x8, v34;
	v60 =	vld.idx.msk [tilespmem:v43+s17+$0x0], $0xffff  }
0x16d: {  	v61 =	vld.idx.msk [tilespmem:v54+s16+$0x0], $0xffff;
	v62 =	vmul.f32 v53, v44;
	v29 =	vmul.f32 v58, v29;
	v30 =	vadd.f32 v30, v31  }
0x16e: {  	v63 =	vor.u32 $0x9, v34;
	v44 =	vld.idx.msk [tilespmem:v54+s17+$0x0], $0xffff  }
0x16f: {  	v46 =	vld.idx.msk [tilespmem:v56+s16+$0x0], $0xffff;
	v47 =	vmul.f32 v55, v45;
	v28 =	vmul.f32 v62, v28;
	v29 =	vadd.f32 v29, v30  }
0x170: {  	v48 =	vor.u32 $0xA, v34;
	v49 =	vld.idx.msk [tilespmem:v56+s17+$0x0], $0xffff  }
0x171: {  	v50 =	vld.idx.msk [tilespmem:v59+s16+$0x0], $0xffff;
	v51 =	vmul.f32 v60, v57;
	v27 =	vmul.f32 v47, v27;
	v28 =	vadd.f32 v28, v29  }
0x172: {  	v52 =	vor.u32 $0xB, v34;
	v35 =	vld.idx.msk [tilespmem:v59+s17+$0x0], $0xffff  }
0x173: {  	v53 =	vld.idx.msk [tilespmem:v63+s16+$0x0], $0xffff;
	v26 =	vmul.f32 v51, v26;
	v54 =	vmul.f32 v44, v61;
	v27 =	vadd.f32 v27, v28  }
0x174: {  	v55 =	vor.u32 $0xC, v34;
	v32 =	vld.idx.msk [tilespmem:v63+s17+$0x0], $0xffff  }
0x175: {  	v56 =	vld.idx.msk [tilespmem:v48+s16+$0x0], $0xffff;
	v57 =	vmul.f32 v49, v46;
	v25 =	vmul.f32 v54, v25;
	v26 =	vadd.f32 v26, v27  }
0x176: {  	v58 =	vor.u32 $0xD, v34;
	v31 =	vld.idx.msk [tilespmem:v48+s17+$0x0], $0xffff  }
0x177: {  	v59 =	vld.idx.msk [tilespmem:v52+s16+$0x0], $0xffff;
	v24 =	vmul.f32 v57, v24;
	v60 =	vmul.f32 v35, v50;
	v25 =	vadd.f32 v25, v26  }
0x178: {  	v61 =	vor.u32 $0xE, v34;
	v30 =	vld.idx.msk [tilespmem:v52+s17+$0x0], $0xffff  }
0x179: {  	v62 =	vld.idx.msk [tilespmem:v55+s16+$0x0], $0xffff;
	v63 =	vmul.f32 v32, v53;
	v23 =	vmul.f32 v60, v23;
	v24 =	vadd.f32 v24, v25  }
0x17a: {  	v37 =	vor.u32 $0xF, v34;
	v29 =	vld.idx.msk [tilespmem:v55+s17+$0x0], $0xffff  }
0x17b: {  	v39 =	vld.idx.msk [tilespmem:v58+s16+$0x0], $0xffff;
	v22 =	vmul.f32 v63, v22;
	v40 =	vmul.f32 v31, v56;
	v23 =	vadd.f32 v23, v24  }
0x17c: {  	v41 =	vor.u32 $0x10, v34;
	v28 =	vld.idx.msk [tilespmem:v58+s17+$0x0], $0xffff  }
0x17d: {  	v42 =	vld.idx.msk [tilespmem:v61+s16+$0x0], $0xffff;
	v21 =	vmul.f32 v40, v21;
	v43 =	vmul.f32 v30, v59;
	v22 =	vadd.f32 v22, v23  }
0x17e: {  	v44 =	vor.u32 $0x11, v34;
	v27 =	vld.idx.msk [tilespmem:v61+s17+$0x0], $0xffff  }
0x17f: {  	v45 =	vld.idx.msk [tilespmem:v37+s16+$0x0], $0xffff;
	v20 =	vmul.f32 v43, v20;
	v46 =	vmul.f32 v29, v62;
	v21 =	vadd.f32 v21, v22  }
0x180: {  	v47 =	vor.u32 $0x12, v34;
	v26 =	vld.idx.msk [tilespmem:v37+s17+$0x0], $0xffff  }
0x181: {  	v48 =	vld.idx.msk [tilespmem:v41+s16+$0x0], $0xffff;
	v19 =	vmul.f32 v46, v19;
	v49 =	vmul.f32 v28, v39;
	v20 =	vadd.f32 v20, v21  }
0x182: {  	v50 =	vor.u32 $0x13, v34;
	v25 =	vld.idx.msk [tilespmem:v41+s17+$0x0], $0xffff  }
0x183: {  	v51 =	vld.idx.msk [tilespmem:v44+s16+$0x0], $0xffff;
	v18 =	vmul.f32 v49, v18;
	v52 =	vmul.f32 v27, v42;
	v19 =	vadd.f32 v19, v20  }
0x184: {  	v53 =	vor.u32 $0x14, v34;
	v24 =	vld.idx.msk [tilespmem:v44+s17+$0x0], $0xffff  }
0x185: {  	v54 =	vld.idx.msk [tilespmem:v47+s16+$0x0], $0xffff;
	v17 =	vmul.f32 v52, v17;
	v55 =	vmul.f32 v26, v45;
	v18 =	vadd.f32 v18, v19  }
0x186: {  	v56 =	vor.u32 $0x15, v34;
	v23 =	vld.idx.msk [tilespmem:v47+s17+$0x0], $0xffff  }
0x187: {  	v57 =	vld.idx.msk [tilespmem:v50+s16+$0x0], $0xffff;
	v16 =	vmul.f32 v55, v16;
	v58 =	vmul.f32 v25, v48;
	v17 =	vadd.f32 v17, v18  }
0x188: {  	v59 =	vor.u32 $0x16, v34;
	v22 =	vld.idx.msk [tilespmem:v50+s17+$0x0], $0xffff  }
0x189: {  	v60 =	vld.idx.msk [tilespmem:v53+s16+$0x0], $0xffff;
	v15 =	vmul.f32 v58, v15;
	v61 =	vmul.f32 v24, v51;
	v16 =	vadd.f32 v16, v17  }
0x18a: {  	v62 =	vor.u32 $0x17, v34;
	v21 =	vld.idx.msk [tilespmem:v53+s17+$0x0], $0xffff  }
0x18b: {  	v63 =	vld.idx.msk [tilespmem:v56+s16+$0x0], $0xffff;
	v14 =	vmul.f32 v61, v14;
	v28 =	vmul.f32 v23, v54;
	v15 =	vadd.f32 v15, v16  }
0x18c: {  	v29 =	vor.u32 $0x18, v34;
	v20 =	vld.idx.msk [tilespmem:v56+s17+$0x0], $0xffff  }
0x18d: {  	v30 =	vld.idx.msk [tilespmem:v59+s16+$0x0], $0xffff;
	v13 =	vmul.f32 v28, v13;
	v31 =	vmul.f32 v22, v57;
	v14 =	vadd.f32 v14, v15  }
0x18e: {  	v32 =	vor.u32 $0x19, v34;
	v19 =	vld.idx.msk [tilespmem:v59+s17+$0x0], $0xffff  }
0x18f: {  	v35 =	vld.idx.msk [tilespmem:v62+s16+$0x0], $0xffff;
	v12 =	vmul.f32 v31, v12;
	v36 =	vmul.f32 v21, v60;
	v13 =	vadd.f32 v13, v14  }
0x190: {  	v37 =	vor.u32 $0x1A, v34;
	v18 =	vld.idx.msk [tilespmem:v62+s17+$0x0], $0xffff  }
0x191: {  	v38 =	vld.idx.msk [tilespmem:v29+s16+$0x0], $0xffff;
	v11 =	vmul.f32 v36, v11;
	v39 =	vmul.f32 v20, v63;
	v12 =	vadd.f32 v12, v13  }
0x192: {  	v40 =	vor.u32 $0x1B, v34;
	v17 =	vld.idx.msk [tilespmem:v29+s17+$0x0], $0xffff  }
0x193: {  	v41 =	vld.idx.msk [tilespmem:v32+s16+$0x0], $0xffff;
	v10 =	vmul.f32 v39, v10;
	v42 =	vmul.f32 v19, v30;
	v11 =	vadd.f32 v11, v12  }
0x194: {  	v43 =	vor.u32 $0x1C, v34;
	v16 =	vld.idx.msk [tilespmem:v32+s17+$0x0], $0xffff  }
0x195: {  	v44 =	vld.idx.msk [tilespmem:v37+s16+$0x0], $0xffff;
	v9 =	vmul.f32 v42, v9;
	v45 =	vmul.f32 v18, v35;
	v10 =	vadd.f32 v10, v11  }
0x196: {  	v46 =	vor.u32 $0x1D, v34;
	v15 =	vld.idx.msk [tilespmem:v37+s17+$0x0], $0xffff  }
0x197: {  	v47 =	vld.idx.msk [tilespmem:v40+s16+$0x0], $0xffff;
	v8 =	vmul.f32 v45, v8;
	v48 =	vmul.f32 v17, v38;
	v9 =	vadd.f32 v9, v10  }
0x198: {  	v49 =	vor.u32 $0x1E, v34;
	v14 =	vld.idx.msk [tilespmem:v40+s17+$0x0], $0xffff  }
0x199: {  	v50 =	vld.idx.msk [tilespmem:v43+s16+$0x0], $0xffff;
	v7 =	vmul.f32 v48, v7;
	v51 =	vmul.f32 v16, v41;
	v8 =	vadd.f32 v8, v9  }
0x19a: {  	v52 =	vor.u32 $0x1F, v34;
	v13 =	vld.idx.msk [tilespmem:v43+s17+$0x0], $0xffff  }
0x19b: {  	v55 =	vld.idx.msk [tilespmem:v46+s17+$0x0], $0xffff;
	v6 =	vmul.f32 v51, v6;
	v54 =	vmul.f32 v15, v44;
	v7 =	vadd.f32 v7, v8  }
0x19c: {  	v53 =	vld.idx.msk [tilespmem:v46+s16+$0x0], $0xffff  }
0x19d: {  	v58 =	vld.idx.msk [tilespmem:v49+s17+$0x0], $0xffff;
	v5 =	vmul.f32 v54, v5;
	v57 =	vmul.f32 v14, v47;
	v6 =	vadd.f32 v6, v7  }
0x19e: {  	v56 =	vld.idx.msk [tilespmem:v49+s16+$0x0], $0xffff  }
0x19f: {  	v61 =	vld.idx.msk [tilespmem:v52+s17+$0x0], $0xffff;
	v4 =	vmul.f32 v57, v4;
	v60 =	vmul.f32 v13, v50;
	v5 =	vadd.f32 v5, v6  }
0x1a0: {  	v59 =	vld.idx.msk [tilespmem:v52+s16+$0x0], $0xffff  }
0x1a1: {  	v62 =	vmul.f32 v55, v53;
	v3 =	vmul.f32 v60, v3;
	v4 =	vadd.f32 v4, v5;
	_ =	sdelay $0x1  }
0x1a2: {  	v63 =	vmul.f32 v58, v56;
	v2 =	vmul.f32 v62, v2;
	v3 =	vadd.f32 v3, v4;
	_ =	sdelay $0x1  }
0x1a3: {  	v1 =	vmul.f32 v63, v1;
	v2 =	vadd.f32 v2, v3;
	v3 =	vmul.f32 v61, v59;
	_ =	sdelay $0x1  }
0x1a4: {  	v1 =	vadd.f32 v1, v2;
	v2 =	vmul.f32 v3, v33;
	_ =	sdelay $0x1  }
0x1a5: {  	v1 =	vadd.f32 v2, v1;
	_ =	sdelay $0x1  }
0x1a6: {  	v1 =	vsub.f32 $0.0e+00, v1;
	_ =	sdelay $0x1  }
0x1a7: {  	v1 =	vmul.f32 $1.442695020e+00, v1;
	_ =	sdelay $0x1  }
0x1a8: {  	(erf) = vpow2.f32 v1;
	_ =	sdelay $0x8  }
0x1a9: {  	v1 =	vpop (erf)  }
0x1aa: {  	v1 =	vadd.f32 $1.000000000e+00, v1;
	_ =	sdelay $0x1  }
0x1ab: {  	(erf) = vrcp.f32 v1;
	_ =	sdelay $0x7  }
0x1ac: {  	s0 =	sadd.s32 $0x1, s0  }
0x1ad: {  	p0 =	sne.s32 s0, s10;
	s2 =	sadd.s32 $0x10, s2;
	v1 =	vpop (erf)  }
.Ltmp1:
0x1ae: {  	[tilespmem:s2+$0x0] =	vst v1;
	(pc) =	sbr.rel @p0 .LBB2_1-.Ltmp1, $4  }
0x1af: {  	[hbm4b:s9+s1] =	stream.linear.scatter [tilespmem:s31], [sflag:$0x2], $0x200, $0x38;
	[tilespmem:$0x8810] =	vst v63  }
0x1b0: {  	_ =	swait.ge [sflag:s11], $0x200  }
0x1b1: {  	[sflag:s11] =	ssyncset.done $0x0  }
0x1b2: {  	[sflag:s11] =	ssyncadd.s32 $0xFFFFFE00  }
0x1b3: {  	_ =	sfence.sel $0x180000  }
0x1b4: {  	[bflag:$0x0] =	sbarrier.arrive $0xFFFF  }
0x1b5: {  	_ =	strace $0x90000047  }
0x1b6: {  	s0 =	stileid.u32;
	[bflag:$0x2] =	sbarrier.arrive $0xFFFF  }
0x1b7: {  	p0 =	sne.s32 s0, $0x0;
	s0 =	rddreg [dreg:$0x4]  }
0x1b8: {  	s0 =	sadd.s32 @!p0 $0x100000, s0  }
0x1b9: {  	[sflag:s0] =	ssyncadd.tile.s32 @!p0 $0x1;
	_ =	shalt  }
.Lfunc_end2:
_tile_overlayer_lowered:
.L_overlay_start_2:
0x1ba: {  	(tag) =	ssettag $0x2  }
0x1bb: {  	s0 =	rddreg [dreg:$0x0];
	s2 =	stileid.u32  }
0x1bc: {  	s1 =	rddreg [dreg:$0x1];
	p0 =	sne.s32 s2, $0x0  }
0x1bd: {  	s3 =	rddreg [dreg:$0x2];
	[bflag:$0x3] =	sbarrier.arrive $0xFFFF;
	s2 =	simm.s32 @!p0 $0x1C02  }
0x1be: {  	[timem:s3], [sflag:s2] =	dma.local @!p0 [hbm:s0], s1  }
0x1bf: {  	s0 =	simm.s32 @!p0 $0x2  }
0x1c0: {  	_ =	swait.ge @!p0 [sflag:s0], s1  }
0x1c1: {  	s1 =	ssub.s32 @!p0 $0x0, s1;
	[sflag:s0] =	ssyncset.done @!p0 $0x0  }
0x1c2: {  	[sflag:s0] =	ssyncadd.s32 @!p0 s1  }
0x1c3: {  	[bflag:$0x3] =	sbarrier.arrive $0xFFFF  }
0x1c4: {  	_ =	shalt  }

</sc_bundles>
